<compile_context>
chip_gen: v7x
topology: tpu7x:2x2x1
jax: 0.10.2.dev20260603
libtpu: 0.0.44.dev20260713+nightly
codegen_flags: <defaults>
</compile_context>

<pallas_src>
import jax
import jax.numpy as jnp
from jax import lax
from jax.experimental import pallas as pl
from jax.experimental.pallas import tpu as pltpu
from jax.experimental.pallas import tpu_sc as plsc

_T = 256
_NC, _NS, _L = 2, 16, 16
_NW = _NC * _NS

_THRESHOLDS = (12, 16, 23, 32, 46, 64, 91)


def _dbias_sc_kernel(table_hbm, out_hbm, idx_v, buf, sem, D, per_w):
    w = lax.axis_index("s") * _NC + lax.axis_index("c")
    nchunk = per_w // _L
    ji = jnp.arange(_L, dtype=jnp.int32)

    def body(t, carry):
        d = (w * per_w + t * _L - (D // 2 - 1)) + ji
        a = jnp.abs(d)
        big = jnp.full((_L,), 8, jnp.int32)
        for thr in _THRESHOLDS:
            big = big + jnp.where(a >= thr, 1, 0)
        mag = jnp.where(a < 8, a, jnp.minimum(big, 15))
        idx_v[pl.ds(t * _L, _L)] = mag + jnp.where(d > 0, 16, 0)
        return carry

    lax.fori_loop(0, nchunk, body, 0)

    pltpu.make_async_copy(table_hbm.at[idx_v], buf, sem).start()
    pltpu.make_async_copy(table_hbm.at[idx_v], buf, sem).wait()
    pltpu.sync_copy(buf, out_hbm.at[pl.ds(w * per_w, per_w), :])


def _dbias(bias_table, D):
    NB, H = bias_table.shape
    per_w = D // _NW
    table_pad = jnp.zeros((NB, 128), jnp.float32).at[:, :H].set(bias_table)
    fn = pl.kernel(
        lambda t, o, iv, bf, sm: _dbias_sc_kernel(t, o, iv, bf, sm, D, per_w),
        out_type=jax.ShapeDtypeStruct((D, 128), jnp.float32),
        mesh=plsc.VectorSubcoreMesh(core_axis_name="c", subcore_axis_name="s"),
        scratch_types=[
            pltpu.VMEM((per_w,), jnp.int32),
            pltpu.VMEM((per_w, 128), jnp.float32),
            pltpu.SemaphoreType.DMA,
        ],
    )
    return fn(table_pad)[:, :H].T


def _bias_tc_kernel(dbias_ref, out_ref, ds_ref, mega_ref, sems):
    h = pl.program_id(0)
    bi = pl.program_id(1)
    H = pl.num_programs(0)
    S = out_ref.shape[3]
    nb = S // _T
    W = (nb + 7) * _T
    D = ds_ref.shape[2]
    K = D // 2 - 1
    par = lax.rem(h, 3)

    def _stripe_copy(hh, row, parity):
        return pltpu.make_async_copy(
            mega_ref.at[parity, :, pl.ds((nb - 1 - row) * _T, S)],
            out_ref.at[0, hh, pl.ds(row * _T, _T), :],
            sems.at[lax.rem(hh, 2), row],
        )

    @pl.when(h > 1)
    def _wait_prev():
        _stripe_copy(h - 2, bi, lax.rem(h - 2, 3)).wait()

    @pl.when(jnp.logical_and(h == 0, bi == 0))
    def _build_ds():
        for hh in range(ds_ref.shape[0]):
            for s in range(8):
                ds_ref[hh, s, s:D] = dbias_ref[hh, 0:D - s]

    @pl.when(bi == 0)
    def _build_mega():
        c0 = K - (W - S)
        for q in range(_T // 8):
            mega_ref[par, 8 * q:8 * q + 8, :] = (
                ds_ref[h, :, c0 - 8 * q:c0 - 8 * q + W])

    _stripe_copy(h, bi, par).start()

    @pl.when(jnp.logical_and(h == H - 1, bi == nb - 1))
    def _final_wait():
        for row in range(nb):
            _stripe_copy(h - 1, row, lax.rem(h - 1, 3)).wait()
        for row in range(nb):
            _stripe_copy(h, row, par).wait()


def kernel(input_ids, bboxes, bias_table):
    B, S = input_ids.shape
    H = bias_table.shape[1]
    nb = S // _T
    D = 2 * S
    dbias = _dbias(bias_table, D)
    out = pl.pallas_call(
        _bias_tc_kernel,
        grid=(H, nb),
        in_specs=[pl.BlockSpec(memory_space=pltpu.VMEM)],
        out_specs=pl.BlockSpec(memory_space=pl.ANY),
        out_shape=jax.ShapeDtypeStruct((B, H, S, S), jnp.float32),
        scratch_shapes=[
            pltpu.VMEM((H, 8, D), jnp.float32),
            pltpu.VMEM((3, _T, (nb + 7) * _T), jnp.float32),
            pltpu.SemaphoreType.DMA((2, nb)),
        ],
        compiler_params=pltpu.CompilerParams(
            dimension_semantics=("arbitrary", "arbitrary"),
        ),
    )(dbias)
    return out

# --- scband reference (transcript-rebuilt; emitter-appended) ---
"""Pipeline reference for scband-relative-bias-base-20289425506417 (READ-ONLY COPY).

The authoritative reference and input builder live on the scoring server;
editing this copy changes nothing except your own understanding.
"""

import jax, jax.numpy as jnp
import numpy as np

NUM_BUCKETS = 32
NUM_HEADS = 12
SCALING_FACTOR = 1.0
MAX_DISTANCE = 128


def relative_position_bucket(relative_position, bidirectional=True, num_buckets=32, max_distance=128):
    # Faithful port of T5Attention._relative_position_bucket
    relative_buckets = jnp.zeros_like(relative_position)
    if bidirectional:
        num_buckets = num_buckets // 2
        relative_buckets = relative_buckets + (relative_position > 0).astype(relative_position.dtype) * num_buckets
        relative_position = jnp.abs(relative_position)
    else:
        relative_position = -jnp.minimum(relative_position, jnp.zeros_like(relative_position))
    max_exact = num_buckets // 2
    is_small = relative_position < max_exact
    rp_safe = jnp.maximum(relative_position, 1).astype(jnp.float32)
    relative_position_if_large = max_exact + (
        jnp.log(rp_safe / max_exact) / np.log(max_distance / max_exact) * (num_buckets - max_exact)
    ).astype(relative_position.dtype)
    relative_position_if_large = jnp.minimum(
        relative_position_if_large,
        jnp.full_like(relative_position_if_large, num_buckets - 1),
    )
    relative_buckets = relative_buckets + jnp.where(is_small, relative_position, relative_position_if_large)
    return relative_buckets


def setup_inputs(seed: int = 0) -> dict:
    key = jax.random.key(seed)
    k1, k2, k3 = jax.random.split(key, 3)
    input_ids = jax.random.randint(k1, (1, 2048), 0, 32000, dtype=jnp.int64)
    bboxes = jax.random.uniform(k2, (1, 2048, 4), dtype=jnp.float32)
    # nn.Embedding(NUM_BUCKETS, num_heads) weight, default init N(0,1)
    bias_table = jax.random.normal(k3, (NUM_BUCKETS, NUM_HEADS), dtype=jnp.float32)
    return {"input_ids": input_ids, "bboxes": bboxes, "bias_table": bias_table}


def reference(input_ids, bboxes, bias_table):
    # Concrete get_positions: sequential 1D token positions (standard 1D relative bias subclass)
    B, S = input_ids.shape
    positions = jnp.broadcast_to(jnp.arange(S, dtype=jnp.float32)[None, :], (B, S))
    query_positions = positions[:, :, None]  # unsqueeze(2)
    key_positions = positions[:, None, :]    # unsqueeze(1)
    relative_positions = ((key_positions - query_positions) * SCALING_FACTOR).astype(jnp.int32)
    buckets = relative_position_bucket(relative_positions, bidirectional=True, num_buckets=NUM_BUCKETS, max_distance=MAX_DISTANCE)
    biases = jnp.take(bias_table, buckets, axis=0)  # [B, S, S, H]
    return jnp.transpose(biases, (0, 3, 1, 2))       # [B, H, S, S]

if __name__ == "__main__":
    import jax
    _d = setup_inputs()
    print(jax.jit(kernel)(*tuple(_d.values())))

</pallas_src>

<mosaic_0001>
#map = affine_map<(d0, d1) -> (0, 0)>
module attributes {stable_mosaic.version = 14 : i64} {
  func.func @_lambda_(%arg0: i32, %arg1: i32, %arg2: memref<32x128xf32, #tpu.memory_space<hbm>>, %arg3: memref<4096x128xf32, #tpu.memory_space<hbm>>, %arg4: memref<128xi32, #tpu.memory_space<vmem>>, %arg5: memref<128x128xf32, #tpu.memory_space<vmem>>, %arg6: memref<!tpu.dma_semaphore, #tpu.memory_space<semaphore_mem>>) attributes {dimension_semantics = [#tpu.dimension_semantics<core_parallel>, #tpu.dimension_semantics<subcore_parallel>], iteration_bounds = array<i64: 2, 16>, scalar_prefetch = 0 : i64, scratch_operands = 3 : i64, tpu.core_type = #tpu.core_type<sc_vector_subcore>, window_params = [{transform_indices = #map}, {transform_indices = #map}]} {
    %mul3A = arith.constant 2 : i32
    %mul3A_0 = arith.muli %arg1, %mul3A : i32
    %add3A = arith.addi %mul3A_0, %arg0 : i32
    %iota3A = tpu.iota {dimensions = array<i32: 0>} : vector<16xi32>
    %scan3A = arith.constant 0 : i32
    %scan3A_1 = arith.constant 0 : i32
    %scan3A_2 = arith.constant 8 : i32
    %scan3A_3 = arith.addi %scan3A_1, %scan3A_2 : i32
    %scan3A_4 = arith.constant 1 : i32
    scf.for %scan3A_12 = %scan3A_1 to %scan3A_3 step %scan3A_4  : i32 {
      %mul3A_13 = arith.constant 128 : i32
      %mul3A_14 = arith.muli %add3A, %mul3A_13 : i32
      %mul3A_15 = arith.constant 16 : i32
      %mul3A_16 = arith.muli %scan3A_12, %mul3A_15 : i32
      %add3A_17 = arith.addi %mul3A_14, %mul3A_16 : i32
      %sub3A = arith.constant 2047 : i32
      %sub3A_18 = arith.subi %add3A_17, %sub3A : i32
      %add3A_19 = vector.broadcast %sub3A_18 : i32 to vector<16xi32>
      %add3A_20 = arith.addi %add3A_19, %iota3A : vector<16xi32>
      %abs3A = math.absi %add3A_20 : vector<16xi32>
      %broadcast_in_dim3A = arith.constant 8 : i32
      %broadcast_in_dim3A_21 = vector.broadcast %broadcast_in_dim3A : i32 to vector<16xi32>
      %ge3A = arith.constant 12 : i32
      %ge3A_22 = vector.broadcast %ge3A : i32 to vector<16xi32>
      %ge3A_23 = arith.cmpi sge, %abs3A, %ge3A_22 : vector<16xi32>
      %jit3A = arith.constant 1 : i32
      %jit3A_24 = arith.constant 0 : i32
      %broadcast_in_dim3A_25 = vector.broadcast %jit3A : i32 to vector<16xi32>
      %broadcast_in_dim3A_26 = vector.broadcast %jit3A_24 : i32 to vector<16xi32>
      %select_n3A = arith.select %ge3A_23, %broadcast_in_dim3A_25, %broadcast_in_dim3A_26 : vector<16xi1>, vector<16xi32>
      %add3A_27 = arith.addi %broadcast_in_dim3A_21, %select_n3A : vector<16xi32>
      %ge3A_28 = arith.constant 16 : i32
      %ge3A_29 = vector.broadcast %ge3A_28 : i32 to vector<16xi32>
      %ge3A_30 = arith.cmpi sge, %abs3A, %ge3A_29 : vector<16xi32>
      %jit3A_31 = arith.constant 1 : i32
      %jit3A_32 = arith.constant 0 : i32
      %broadcast_in_dim3A_33 = vector.broadcast %jit3A_31 : i32 to vector<16xi32>
      %broadcast_in_dim3A_34 = vector.broadcast %jit3A_32 : i32 to vector<16xi32>
      %select_n3A_35 = arith.select %ge3A_30, %broadcast_in_dim3A_33, %broadcast_in_dim3A_34 : vector<16xi1>, vector<16xi32>
      %add3A_36 = arith.addi %add3A_27, %select_n3A_35 : vector<16xi32>
      %ge3A_37 = arith.constant 23 : i32
      %ge3A_38 = vector.broadcast %ge3A_37 : i32 to vector<16xi32>
      %ge3A_39 = arith.cmpi sge, %abs3A, %ge3A_38 : vector<16xi32>
      %jit3A_40 = arith.constant 1 : i32
      %jit3A_41 = arith.constant 0 : i32
      %broadcast_in_dim3A_42 = vector.broadcast %jit3A_40 : i32 to vector<16xi32>
      %broadcast_in_dim3A_43 = vector.broadcast %jit3A_41 : i32 to vector<16xi32>
      %select_n3A_44 = arith.select %ge3A_39, %broadcast_in_dim3A_42, %broadcast_in_dim3A_43 : vector<16xi1>, vector<16xi32>
      %add3A_45 = arith.addi %add3A_36, %select_n3A_44 : vector<16xi32>
      %ge3A_46 = arith.constant 32 : i32
      %ge3A_47 = vector.broadcast %ge3A_46 : i32 to vector<16xi32>
      %ge3A_48 = arith.cmpi sge, %abs3A, %ge3A_47 : vector<16xi32>
      %jit3A_49 = arith.constant 1 : i32
      %jit3A_50 = arith.constant 0 : i32
      %broadcast_in_dim3A_51 = vector.broadcast %jit3A_49 : i32 to vector<16xi32>
      %broadcast_in_dim3A_52 = vector.broadcast %jit3A_50 : i32 to vector<16xi32>
      %select_n3A_53 = arith.select %ge3A_48, %broadcast_in_dim3A_51, %broadcast_in_dim3A_52 : vector<16xi1>, vector<16xi32>
      %add3A_54 = arith.addi %add3A_45, %select_n3A_53 : vector<16xi32>
      %ge3A_55 = arith.constant 46 : i32
      %ge3A_56 = vector.broadcast %ge3A_55 : i32 to vector<16xi32>
      %ge3A_57 = arith.cmpi sge, %abs3A, %ge3A_56 : vector<16xi32>
      %jit3A_58 = arith.constant 1 : i32
      %jit3A_59 = arith.constant 0 : i32
      %broadcast_in_dim3A_60 = vector.broadcast %jit3A_58 : i32 to vector<16xi32>
      %broadcast_in_dim3A_61 = vector.broadcast %jit3A_59 : i32 to vector<16xi32>
      %select_n3A_62 = arith.select %ge3A_57, %broadcast_in_dim3A_60, %broadcast_in_dim3A_61 : vector<16xi1>, vector<16xi32>
      %add3A_63 = arith.addi %add3A_54, %select_n3A_62 : vector<16xi32>
      %ge3A_64 = arith.constant 64 : i32
      %ge3A_65 = vector.broadcast %ge3A_64 : i32 to vector<16xi32>
      %ge3A_66 = arith.cmpi sge, %abs3A, %ge3A_65 : vector<16xi32>
      %jit3A_67 = arith.constant 1 : i32
      %jit3A_68 = arith.constant 0 : i32
      %broadcast_in_dim3A_69 = vector.broadcast %jit3A_67 : i32 to vector<16xi32>
      %broadcast_in_dim3A_70 = vector.broadcast %jit3A_68 : i32 to vector<16xi32>
      %select_n3A_71 = arith.select %ge3A_66, %broadcast_in_dim3A_69, %broadcast_in_dim3A_70 : vector<16xi1>, vector<16xi32>
      %add3A_72 = arith.addi %add3A_63, %select_n3A_71 : vector<16xi32>
      %ge3A_73 = arith.constant 91 : i32
      %ge3A_74 = vector.broadcast %ge3A_73 : i32 to vector<16xi32>
      %ge3A_75 = arith.cmpi sge, %abs3A, %ge3A_74 : vector<16xi32>
      %jit3A_76 = arith.constant 1 : i32
      %jit3A_77 = arith.constant 0 : i32
      %broadcast_in_dim3A_78 = vector.broadcast %jit3A_76 : i32 to vector<16xi32>
      %broadcast_in_dim3A_79 = vector.broadcast %jit3A_77 : i32 to vector<16xi32>
      %select_n3A_80 = arith.select %ge3A_75, %broadcast_in_dim3A_78, %broadcast_in_dim3A_79 : vector<16xi1>, vector<16xi32>
      %add3A_81 = arith.addi %add3A_72, %select_n3A_80 : vector<16xi32>
      %lt3A = arith.constant 8 : i32
      %lt3A_82 = vector.broadcast %lt3A : i32 to vector<16xi32>
      %lt3A_83 = arith.cmpi slt, %abs3A, %lt3A_82 : vector<16xi32>
      %min3A = arith.constant 15 : i32
      %min3A_84 = vector.broadcast %min3A : i32 to vector<16xi32>
      %min3A_85 = arith.minsi %add3A_81, %min3A_84 : vector<16xi32>
      %select_n3A_86 = arith.select %lt3A_83, %abs3A, %min3A_85 : vector<16xi1>, vector<16xi32>
      %gt3A = arith.constant 0 : i32
      %gt3A_87 = vector.broadcast %gt3A : i32 to vector<16xi32>
      %gt3A_88 = arith.cmpi sgt, %add3A_20, %gt3A_87 : vector<16xi32>
      %jit3A_89 = arith.constant 16 : i32
      %jit3A_90 = arith.constant 0 : i32
      %broadcast_in_dim3A_91 = vector.broadcast %jit3A_89 : i32 to vector<16xi32>
      %broadcast_in_dim3A_92 = vector.broadcast %jit3A_90 : i32 to vector<16xi32>
      %select_n3A_93 = arith.select %gt3A_88, %broadcast_in_dim3A_91, %broadcast_in_dim3A_92 : vector<16xi1>, vector<16xi32>
      %add3A_94 = arith.addi %select_n3A_86, %select_n3A_93 : vector<16xi32>
      %mul3A_95 = arith.constant 16 : i32
      %mul3A_96 = arith.muli %scan3A_12, %mul3A_95 : i32
      %swap3A = arith.index_cast %mul3A_96 : i32 to index
      %swap3A_97 = tpu.vector_load %arg4[%swap3A] {strides = array<i32>} : memref<128xi32, #tpu.memory_space<vmem>>, vector<16xi32>,
      %swap3A_98 = vector.shape_cast %swap3A_97 : vector<16xi32> to vector<16xi32>
      %swap3A_99 = vector.shape_cast %add3A_94 : vector<16xi32> to vector<16xi32>
      tpu.vector_store %arg4[%swap3A], %swap3A_99 {strides = array<i32>} : memref<128xi32, #tpu.memory_space<vmem>>, vector<16xi32>,
    }
    %scan3A_5 = arith.constant 8 : i32
    %dma_start3A = arith.constant 0 : i32
    %dma_start3A_6 = arith.constant 0 : i32
    %dma_start3A_7 = tpu.memref_slice %arg2[%dma_start3A, %dma_start3A_6] : memref<32x128xf32, #tpu.memory_space<hbm>> -> memref<32x128xf32, #tpu.memory_space<hbm>>
    tpu.enqueue_indirect_dma source(%dma_start3A_7 : memref<32x128xf32, #tpu.memory_space<hbm>>) target(%arg5 : memref<128x128xf32, #tpu.memory_space<vmem>>) offsets(%arg4 : memref<128xi32, #tpu.memory_space<vmem>>) semaphore(%arg6 : memref<!tpu.dma_semaphore, #tpu.memory_space<semaphore_mem>>)
    %dma_wait3A = arith.constant 0 : i32
    %dma_wait3A_8 = arith.constant 0 : i32
    %dma_wait3A_9 = tpu.memref_slice %arg2[%dma_wait3A, %dma_wait3A_8] : memref<32x128xf32, #tpu.memory_space<hbm>> -> memref<32x128xf32, #tpu.memory_space<hbm>>
    tpu.wait_indirect_dma semaphore(%arg6 : memref<!tpu.dma_semaphore, #tpu.memory_space<semaphore_mem>>) src(%dma_wait3A_9 : memref<32x128xf32, #tpu.memory_space<hbm>>) dst(%arg5 : memref<128x128xf32, #tpu.memory_space<vmem>>)
    %mul3A_10 = arith.constant 128 : i32
    %mul3A_11 = arith.muli %add3A, %mul3A_10 : i32
    "tpu.region"() ({
      %run_scoped3A = tpu.sem_alloc : memref<!tpu.dma_semaphore, #tpu.memory_space<semaphore_mem>>
      %dma_start3A_12 = arith.constant 0 : i32
      %dma_start3A_13 = tpu.memref_slice %arg3[%mul3A_11, %dma_start3A_12] : memref<4096x128xf32, #tpu.memory_space<hbm>> -> memref<128x128xf32, #tpu.memory_space<hbm>>
      %dma_start3A_14 = arith.constant 0 : i32
      %dma_start3A_15 = tpu.memref_slice %arg3[%mul3A_11, %dma_start3A_14] : memref<4096x128xf32, #tpu.memory_space<hbm>> -> memref<128x128xf32, #tpu.memory_space<hbm>>
      tpu.enqueue_dma source(%arg5 : memref<128x128xf32, #tpu.memory_space<vmem>>) target(%dma_start3A_15 : memref<128x128xf32, #tpu.memory_space<hbm>>) target_semaphore(%run_scoped3A : memref<!tpu.dma_semaphore, #tpu.memory_space<semaphore_mem>>)
      %dma_wait3A_16 = arith.constant 0 : i32
      %dma_wait3A_17 = tpu.memref_slice %arg3[%mul3A_11, %dma_wait3A_16] : memref<4096x128xf32, #tpu.memory_space<hbm>> -> memref<128x128xf32, #tpu.memory_space<hbm>>
      %dma_wait3A_18 = arith.constant 0 : i32
      %dma_wait3A_19 = tpu.memref_slice %arg3[%mul3A_11, %dma_wait3A_18] : memref<4096x128xf32, #tpu.memory_space<hbm>> -> memref<128x128xf32, #tpu.memory_space<hbm>>
      tpu.wait_dma2 semaphore(%run_scoped3A : memref<!tpu.dma_semaphore, #tpu.memory_space<semaphore_mem>>) src(%arg5 : memref<128x128xf32, #tpu.memory_space<vmem>>) dst(%dma_wait3A_19 : memref<128x128xf32, #tpu.memory_space<hbm>>)
      tpu.yield
    }) : () -> ()
    return
  }
}

module attributes {stable_mosaic.version = 14 : i64} {
  func.func @_bias_tc_kernel(%arg0: i32, %arg1: i32, %arg2: memref<12x4096xf32, #tpu.memory_space<vmem>>, %arg3: memref<1x12x2048x2048xf32, #tpu.memory_space<any>>, %arg4: memref<12x8x4096xf32, #tpu.memory_space<vmem>>, %arg5: memref<3x256x3840xf32, #tpu.memory_space<vmem>>, %arg6: memref<2x8x!tpu.dma_semaphore, #tpu.memory_space<semaphore_mem>>) attributes {dimension_semantics = [#tpu.dimension_semantics<arbitrary>, #tpu.dimension_semantics<arbitrary>], iteration_bounds = array<i64: 12, 8>, scalar_prefetch = 0 : i64, scratch_operands = 3 : i64, tpu.core_type = #tpu.core_type<tc>, window_params = [{pipeline_mode = #tpu.pipeline_mode<synchronous>, transform_indices = @transform_0, window_bounds = array<i64: 12, 4096>}, {}]} {
    %rem3A = arith.constant 3 : i32
    %rem3A_0 = arith.remsi %arg0, %rem3A : i32
    %gt3A = arith.constant 1 : i32
    %gt3A_1 = arith.cmpi sgt, %arg0, %gt3A : i32
    %convert_element_type3A = arith.extui %gt3A_1 : i1 to i32
    %cond3A = arith.constant 0 : i32
    %cond3A_2 = arith.cmpi ne, %convert_element_type3A, %cond3A : i32
    scf.if %cond3A_2 {
      %sub3A_36 = arith.constant 2 : i32
      %sub3A_37 = arith.subi %arg0, %sub3A_36 : i32
      %sub3A_38 = arith.constant 2 : i32
      %sub3A_39 = arith.subi %arg0, %sub3A_38 : i32
      %rem3A_40 = arith.constant 3 : i32
      %rem3A_41 = arith.remsi %sub3A_39, %rem3A_40 : i32
      %sub3A_42 = arith.constant 7 : i32
      %sub3A_43 = arith.subi %sub3A_42, %arg1 : i32
      %mul3A_44 = arith.constant 256 : i32
      %mul3A_45 = arith.muli %sub3A_43, %mul3A_44 : i32
      %mul3A_46 = arith.constant 256 : i32
      %mul3A_47 = arith.muli %arg1, %mul3A_46 : i32
      %rem3A_48 = arith.constant 2 : i32
      %rem3A_49 = arith.remsi %sub3A_37, %rem3A_48 : i32
      %dma_wait3A = arith.constant 0 : i32
      %dma_wait3A_50 = tpu.memref_slice %arg6[%rem3A_49, %arg1] : memref<2x8x!tpu.dma_semaphore, #tpu.memory_space<semaphore_mem>> -> memref<1x1x!tpu.dma_semaphore, #tpu.memory_space<semaphore_mem>>
      %dma_wait3A_51 = tpu.memref_squeeze %dma_wait3A_50 : memref<1x1x!tpu.dma_semaphore, #tpu.memory_space<semaphore_mem>> -> memref<!tpu.dma_semaphore, #tpu.memory_space<semaphore_mem>>
      %dma_wait3A_52 = arith.constant 0 : i32
      %dma_wait3A_53 = tpu.memref_slice %arg3[%dma_wait3A, %sub3A_37, %mul3A_47, %dma_wait3A_52] : memref<1x12x2048x2048xf32, #tpu.memory_space<any>> -> memref<1x1x256x2048xf32, #tpu.memory_space<any>>
      %dma_wait3A_54 = tpu.memref_squeeze %dma_wait3A_53 : memref<1x1x256x2048xf32, #tpu.memory_space<any>> -> memref<256x2048xf32, #tpu.memory_space<any>>
      %dma_wait3A_55 = arith.constant 0 : i32
      %dma_wait3A_56 = tpu.memref_slice %arg5[%rem3A_41, %dma_wait3A_55, %mul3A_45] : memref<3x256x3840xf32, #tpu.memory_space<vmem>> -> memref<1x256x2048xf32, #tpu.memory_space<vmem>>
      %dma_wait3A_57 = tpu.memref_squeeze %dma_wait3A_56 : memref<1x256x2048xf32, #tpu.memory_space<vmem>> -> memref<256x2048xf32, #tpu.memory_space<vmem>>
      tpu.wait_dma2 semaphore(%dma_wait3A_51 : memref<!tpu.dma_semaphore, #tpu.memory_space<semaphore_mem>>) src(%dma_wait3A_57 : memref<256x2048xf32, #tpu.memory_space<vmem>>) dst(%dma_wait3A_54 : memref<256x2048xf32, #tpu.memory_space<any>>)
    } else {
    }
    %eq3A = arith.constant 0 : i32
    %eq3A_3 = arith.cmpi eq, %arg0, %eq3A : i32
    %eq3A_4 = arith.constant 0 : i32
    %eq3A_5 = arith.cmpi eq, %arg1, %eq3A_4 : i32
    %and3A = arith.andi %eq3A_3, %eq3A_5 : i1
    %convert_element_type3A_6 = arith.extui %and3A : i1 to i32
    %cond3A_7 = arith.constant 0 : i32
    %cond3A_8 = arith.cmpi ne, %convert_element_type3A_6, %cond3A_7 : i32
    scf.if %cond3A_8 {
      %get3A = arith.constant 0 : index
      %get3A_36 = arith.constant 0 : index
      %get3A_37 = vector.load %arg2[%get3A, %get3A_36] : memref<12x4096xf32, #tpu.memory_space<vmem>>, vector<1x4096xf32>
      %get3A_38 = vector.shape_cast %get3A_37 : vector<1x4096xf32> to vector<4096xf32>
      %swap3A = arith.constant 0 : index
      %swap3A_39 = arith.constant 0 : index
      %swap3A_40 = arith.constant 0 : index
      %swap3A_41 = vector.load %arg4[%swap3A, %swap3A_39, %swap3A_40] : memref<12x8x4096xf32, #tpu.memory_space<vmem>>, vector<1x1x4096xf32>
      %swap3A_42 = vector.shape_cast %swap3A_41 : vector<1x1x4096xf32> to vector<4096xf32>
      %swap3A_43 = vector.shape_cast %get3A_38 : vector<4096xf32> to vector<1x1x4096xf32>
      tpu.vector_store %arg4[%swap3A, %swap3A_39, %swap3A_40], %swap3A_43 {strides = array<i32>} : memref<12x8x4096xf32, #tpu.memory_space<vmem>>, vector<1x1x4096xf32>,
      %get3A_44 = arith.constant 0 : index
      %get3A_45 = arith.constant 0 : index
      %get3A_46 = vector.load %arg2[%get3A_44, %get3A_45] : memref<12x4096xf32, #tpu.memory_space<vmem>>, vector<1x4095xf32>
      %get3A_47 = vector.shape_cast %get3A_46 : vector<1x4095xf32> to vector<4095xf32>
      %swap3A_48 = arith.constant 0 : index
      %swap3A_49 = arith.constant 1 : index
      %swap3A_50 = arith.constant 1 : index
      %swap3A_51 = vector.load %arg4[%swap3A_48, %swap3A_49, %swap3A_50] : memref<12x8x4096xf32, #tpu.memory_space<vmem>>, vector<1x1x4095xf32>
      %swap3A_52 = vector.shape_cast %swap3A_51 : vector<1x1x4095xf32> to vector<4095xf32>
      %swap3A_53 = vector.shape_cast %get3A_47 : vector<4095xf32> to vector<1x1x4095xf32>
      tpu.vector_store %arg4[%swap3A_48, %swap3A_49, %swap3A_50], %swap3A_53 {strides = array<i32>} : memref<12x8x4096xf32, #tpu.memory_space<vmem>>, vector<1x1x4095xf32>,
      %get3A_54 = arith.constant 0 : index
      %get3A_55 = arith.constant 0 : index
      %get3A_56 = vector.load %arg2[%get3A_54, %get3A_55] : memref<12x4096xf32, #tpu.memory_space<vmem>>, vector<1x4094xf32>
      %get3A_57 = vector.shape_cast %get3A_56 : vector<1x4094xf32> to vector<4094xf32>
      %swap3A_58 = arith.constant 0 : index
      %swap3A_59 = arith.constant 2 : index
      %swap3A_60 = arith.constant 2 : index
      %swap3A_61 = vector.load %arg4[%swap3A_58, %swap3A_59, %swap3A_60] : memref<12x8x4096xf32, #tpu.memory_space<vmem>>, vector<1x1x4094xf32>
      %swap3A_62 = vector.shape_cast %swap3A_61 : vector<1x1x4094xf32> to vector<4094xf32>
      %swap3A_63 = vector.shape_cast %get3A_57 : vector<4094xf32> to vector<1x1x4094xf32>
      tpu.vector_store %arg4[%swap3A_58, %swap3A_59, %swap3A_60], %swap3A_63 {strides = array<i32>} : memref<12x8x4096xf32, #tpu.memory_space<vmem>>, vector<1x1x4094xf32>,
      %get3A_64 = arith.constant 0 : index
      %get3A_65 = arith.constant 0 : index
      %get3A_66 = vector.load %arg2[%get3A_64, %get3A_65] : memref<12x4096xf32, #tpu.memory_space<vmem>>, vector<1x4093xf32>
      %get3A_67 = vector.shape_cast %get3A_66 : vector<1x4093xf32> to vector<4093xf32>
      %swap3A_68 = arith.constant 0 : index
      %swap3A_69 = arith.constant 3 : index
      %swap3A_70 = arith.constant 3 : index
      %swap3A_71 = vector.load %arg4[%swap3A_68, %swap3A_69, %swap3A_70] : memref<12x8x4096xf32, #tpu.memory_space<vmem>>, vector<1x1x4093xf32>
      %swap3A_72 = vector.shape_cast %swap3A_71 : vector<1x1x4093xf32> to vector<4093xf32>
      %swap3A_73 = vector.shape_cast %get3A_67 : vector<4093xf32> to vector<1x1x4093xf32>
      tpu.vector_store %arg4[%swap3A_68, %swap3A_69, %swap3A_70], %swap3A_73 {strides = array<i32>} : memref<12x8x4096xf32, #tpu.memory_space<vmem>>, vector<1x1x4093xf32>,
      %get3A_74 = arith.constant 0 : index
      %get3A_75 = arith.constant 0 : index
      %get3A_76 = vector.load %arg2[%get3A_74, %get3A_75] : memref<12x4096xf32, #tpu.memory_space<vmem>>, vector<1x4092xf32>
      %get3A_77 = vector.shape_cast %get3A_76 : vector<1x4092xf32> to vector<4092xf32>
      %swap3A_78 = arith.constant 0 : index
      %swap3A_79 = arith.constant 4 : index
      %swap3A_80 = arith.constant 4 : index
      %swap3A_81 = vector.load %arg4[%swap3A_78, %swap3A_79, %swap3A_80] : memref<12x8x4096xf32, #tpu.memory_space<vmem>>, vector<1x1x4092xf32>
      %swap3A_82 = vector.shape_cast %swap3A_81 : vector<1x1x4092xf32> to vector<4092xf32>
      %swap3A_83 = vector.shape_cast %get3A_77 : vector<4092xf32> to vector<1x1x4092xf32>
      tpu.vector_store %arg4[%swap3A_78, %swap3A_79, %swap3A_80], %swap3A_83 {strides = array<i32>} : memref<12x8x4096xf32, #tpu.memory_space<vmem>>, vector<1x1x4092xf32>,
      %get3A_84 = arith.constant 0 : index
      %get3A_85 = arith.constant 0 : index
      %get3A_86 = vector.load %arg2[%get3A_84, %get3A_85] : memref<12x4096xf32, #tpu.memory_space<vmem>>, vector<1x4091xf32>
      %get3A_87 = vector.shape_cast %get3A_86 : vector<1x4091xf32> to vector<4091xf32>
      %swap3A_88 = arith.constant 0 : index
      %swap3A_89 = arith.constant 5 : index
      %swap3A_90 = arith.constant 5 : index
      %swap3A_91 = vector.load %arg4[%swap3A_88, %swap3A_89, %swap3A_90] : memref<12x8x4096xf32, #tpu.memory_space<vmem>>, vector<1x1x4091xf32>
      %swap3A_92 = vector.shape_cast %swap3A_91 : vector<1x1x4091xf32> to vector<4091xf32>
      %swap3A_93 = vector.shape_cast %get3A_87 : vector<4091xf32> to vector<1x1x4091xf32>
      tpu.vector_store %arg4[%swap3A_88, %swap3A_89, %swap3A_90], %swap3A_93 {strides = array<i32>} : memref<12x8x4096xf32, #tpu.memory_space<vmem>>, vector<1x1x4091xf32>,
      %get3A_94 = arith.constant 0 : index
      %get3A_95 = arith.constant 0 : index
      %get3A_96 = vector.load %arg2[%get3A_94, %get3A_95] : memref<12x4096xf32, #tpu.memory_space<vmem>>, vector<1x4090xf32>
      %get3A_97 = vector.shape_cast %get3A_96 : vector<1x4090xf32> to vector<4090xf32>
      %swap3A_98 = arith.constant 0 : index
      %swap3A_99 = arith.constant 6 : index
      %swap3A_100 = arith.constant 6 : index
      %swap3A_101 = vector.load %arg4[%swap3A_98, %swap3A_99, %swap3A_100] : memref<12x8x4096xf32, #tpu.memory_space<vmem>>, vector<1x1x4090xf32>
      %swap3A_102 = vector.shape_cast %swap3A_101 : vector<1x1x4090xf32> to vector<4090xf32>
      %swap3A_103 = vector.shape_cast %get3A_97 : vector<4090xf32> to vector<1x1x4090xf32>
      tpu.vector_store %arg4[%swap3A_98, %swap3A_99, %swap3A_100], %swap3A_103 {strides = array<i32>} : memref<12x8x4096xf32, #tpu.memory_space<vmem>>, vector<1x1x4090xf32>,
      %get3A_104 = arith.constant 0 : index
      %get3A_105 = arith.constant 0 : index
      %get3A_106 = vector.load %arg2[%get3A_104, %get3A_105] : memref<12x4096xf32, #tpu.memory_space<vmem>>, vector<1x4089xf32>
      %get3A_107 = vector.shape_cast %get3A_106 : vector<1x4089xf32> to vector<4089xf32>
      %swap3A_108 = arith.constant 0 : index
      %swap3A_109 = arith.constant 7 : index
      %swap3A_110 = arith.constant 7 : index
      %swap3A_111 = vector.load %arg4[%swap3A_108, %swap3A_109, %swap3A_110] : memref<12x8x4096xf32, #tpu.memory_space<vmem>>, vector<1x1x4089xf32>
      %swap3A_112 = vector.shape_cast %swap3A_111 : vector<1x1x4089xf32> to vector<4089xf32>
      %swap3A_113 = vector.shape_cast %get3A_107 : vector<4089xf32> to vector<1x1x4089xf32>
      tpu.vector_store %arg4[%swap3A_108, %swap3A_109, %swap3A_110], %swap3A_113 {strides = array<i32>} : memref<12x8x4096xf32, #tpu.memory_space<vmem>>, vector<1x1x4089xf32>,
      %get3A_114 = arith.constant 1 : index
      %get3A_115 = arith.constant 0 : index
      %get3A_116 = vector.load %arg2[%get3A_114, %get3A_115] : memref<12x4096xf32, #tpu.memory_space<vmem>>, vector<1x4096xf32>
      %get3A_117 = vector.shape_cast %get3A_116 : vector<1x4096xf32> to vector<4096xf32>
      %swap3A_118 = arith.constant 1 : index
      %swap3A_119 = arith.constant 0 : index
      %swap3A_120 = arith.constant 0 : index
      %swap3A_121 = vector.load %arg4[%swap3A_118, %swap3A_119, %swap3A_120] : memref<12x8x4096xf32, #tpu.memory_space<vmem>>, vector<1x1x4096xf32>
      %swap3A_122 = vector.shape_cast %swap3A_121 : vector<1x1x4096xf32> to vector<4096xf32>
      %swap3A_123 = vector.shape_cast %get3A_117 : vector<4096xf32> to vector<1x1x4096xf32>
      tpu.vector_store %arg4[%swap3A_118, %swap3A_119, %swap3A_120], %swap3A_123 {strides = array<i32>} : memref<12x8x4096xf32, #tpu.memory_space<vmem>>, vector<1x1x4096xf32>,
      %get3A_124 = arith.constant 1 : index
      %get3A_125 = arith.constant 0 : index
      %get3A_126 = vector.load %arg2[%get3A_124, %get3A_125] : memref<12x4096xf32, #tpu.memory_space<vmem>>, vector<1x4095xf32>
      %get3A_127 = vector.shape_cast %get3A_126 : vector<1x4095xf32> to vector<4095xf32>
      %swap3A_128 = arith.constant 1 : index
      %swap3A_129 = arith.constant 1 : index
      %swap3A_130 = arith.constant 1 : index
      %swap3A_131 = vector.load %arg4[%swap3A_128, %swap3A_129, %swap3A_130] : memref<12x8x4096xf32, #tpu.memory_space<vmem>>, vector<1x1x4095xf32>
      %swap3A_132 = vector.shape_cast %swap3A_131 : vector<1x1x4095xf32> to vector<4095xf32>
      %swap3A_133 = vector.shape_cast %get3A_127 : vector<4095xf32> to vector<1x1x4095xf32>
      tpu.vector_store %arg4[%swap3A_128, %swap3A_129, %swap3A_130], %swap3A_133 {strides = array<i32>} : memref<12x8x4096xf32, #tpu.memory_space<vmem>>, vector<1x1x4095xf32>,
      %get3A_134 = arith.constant 1 : index
      %get3A_135 = arith.constant 0 : index
      %get3A_136 = vector.load %arg2[%get3A_134, %get3A_135] : memref<12x4096xf32, #tpu.memory_space<vmem>>, vector<1x4094xf32>
      %get3A_137 = vector.shape_cast %get3A_136 : vector<1x4094xf32> to vector<4094xf32>
      %swap3A_138 = arith.constant 1 : index
      %swap3A_139 = arith.constant 2 : index
      %swap3A_140 = arith.constant 2 : index
      %swap3A_141 = vector.load %arg4[%swap3A_138, %swap3A_139, %swap3A_140] : memref<12x8x4096xf32, #tpu.memory_space<vmem>>, vector<1x1x4094xf32>
      %swap3A_142 = vector.shape_cast %swap3A_141 : vector<1x1x4094xf32> to vector<4094xf32>
      %swap3A_143 = vector.shape_cast %get3A_137 : vector<4094xf32> to vector<1x1x4094xf32>
      tpu.vector_store %arg4[%swap3A_138, %swap3A_139, %swap3A_140], %swap3A_143 {strides = array<i32>} : memref<12x8x4096xf32, #tpu.memory_space<vmem>>, vector<1x1x4094xf32>,
      %get3A_144 = arith.constant 1 : index
      %get3A_145 = arith.constant 0 : index
      %get3A_146 = vector.load %arg2[%get3A_144, %get3A_145] : memref<12x4096xf32, #tpu.memory_space<vmem>>, vector<1x4093xf32>
      %get3A_147 = vector.shape_cast %get3A_146 : vector<1x4093xf32> to vector<4093xf32>
      %swap3A_148 = arith.constant 1 : index
      %swap3A_149 = arith.constant 3 : index
      %swap3A_150 = arith.constant 3 : index
      %swap3A_151 = vector.load %arg4[%swap3A_148, %swap3A_149, %swap3A_150] : memref<12x8x4096xf32, #tpu.memory_space<vmem>>, vector<1x1x4093xf32>
      %swap3A_152 = vector.shape_cast %swap3A_151 : vector<1x1x4093xf32> to vector<4093xf32>
      %swap3A_153 = vector.shape_cast %get3A_147 : vector<4093xf32> to vector<1x1x4093xf32>
      tpu.vector_store %arg4[%swap3A_148, %swap3A_149, %swap3A_150], %swap3A_153 {strides = array<i32>} : memref<12x8x4096xf32, #tpu.memory_space<vmem>>, vector<1x1x4093xf32>,
      %get3A_154 = arith.constant 1 : index
      %get3A_155 = arith.constant 0 : index
      %get3A_156 = vector.load %arg2[%get3A_154, %get3A_155] : memref<12x4096xf32, #tpu.memory_space<vmem>>, vector<1x4092xf32>
      %get3A_157 = vector.shape_cast %get3A_156 : vector<1x4092xf32> to vector<4092xf32>
      %swap3A_158 = arith.constant 1 : index
      %swap3A_159 = arith.constant 4 : index
      %swap3A_160 = arith.constant 4 : index
      %swap3A_161 = vector.load %arg4[%swap3A_158, %swap3A_159, %swap3A_160] : memref<12x8x4096xf32, #tpu.memory_space<vmem>>, vector<1x1x4092xf32>
      %swap3A_162 = vector.shape_cast %swap3A_161 : vector<1x1x4092xf32> to vector<4092xf32>
      %swap3A_163 = vector.shape_cast %get3A_157 : vector<4092xf32> to vector<1x1x4092xf32>
      tpu.vector_store %arg4[%swap3A_158, %swap3A_159, %swap3A_160], %swap3A_163 {strides = array<i32>} : memref<12x8x4096xf32, #tpu.memory_space<vmem>>, vector<1x1x4092xf32>,
      %get3A_164 = arith.constant 1 : index
      %get3A_165 = arith.constant 0 : index
      %get3A_166 = vector.load %arg2[%get3A_164, %get3A_165] : memref<12x4096xf32, #tpu.memory_space<vmem>>, vector<1x4091xf32>
      %get3A_167 = vector.shape_cast %get3A_166 : vector<1x4091xf32> to vector<4091xf32>
      %swap3A_168 = arith.constant 1 : index
      %swap3A_169 = arith.constant 5 : index
      %swap3A_170 = arith.constant 5 : index
      %swap3A_171 = vector.load %arg4[%swap3A_168, %swap3A_169, %swap3A_170] : memref<12x8x4096xf32, #tpu.memory_space<vmem>>, vector<1x1x4091xf32>
      %swap3A_172 = vector.shape_cast %swap3A_171 : vector<1x1x4091xf32> to vector<4091xf32>
      %swap3A_173 = vector.shape_cast %get3A_167 : vector<4091xf32> to vector<1x1x4091xf32>
      tpu.vector_store %arg4[%swap3A_168, %swap3A_169, %swap3A_170], %swap3A_173 {strides = array<i32>} : memref<12x8x4096xf32, #tpu.memory_space<vmem>>, vector<1x1x4091xf32>,
      %get3A_174 = arith.constant 1 : index
      %get3A_175 = arith.constant 0 : index
      %get3A_176 = vector.load %arg2[%get3A_174, %get3A_175] : memref<12x4096xf32, #tpu.memory_space<vmem>>, vector<1x4090xf32>
      %get3A_177 = vector.shape_cast %get3A_176 : vector<1x4090xf32> to vector<4090xf32>
      %swap3A_178 = arith.constant 1 : index
      %swap3A_179 = arith.constant 6 : index
      %swap3A_180 = arith.constant 6 : index
      %swap3A_181 = vector.load %arg4[%swap3A_178, %swap3A_179, %swap3A_180] : memref<12x8x4096xf32, #tpu.memory_space<vmem>>, vector<1x1x4090xf32>
      %swap3A_182 = vector.shape_cast %swap3A_181 : vector<1x1x4090xf32> to vector<4090xf32>
      %swap3A_183 = vector.shape_cast %get3A_177 : vector<4090xf32> to vector<1x1x4090xf32>
      tpu.vector_store %arg4[%swap3A_178, %swap3A_179, %swap3A_180], %swap3A_183 {strides = array<i32>} : memref<12x8x4096xf32, #tpu.memory_space<vmem>>, vector<1x1x4090xf32>,
      %get3A_184 = arith.constant 1 : index
      %get3A_185 = arith.constant 0 : index
      %get3A_186 = vector.load %arg2[%get3A_184, %get3A_185] : memref<12x4096xf32, #tpu.memory_space<vmem>>, vector<1x4089xf32>
      %get3A_187 = vector.shape_cast %get3A_186 : vector<1x4089xf32> to vector<4089xf32>
      %swap3A_188 = arith.constant 1 : index
      %swap3A_189 = arith.constant 7 : index
      %swap3A_190 = arith.constant 7 : index
      %swap3A_191 = vector.load %arg4[%swap3A_188, %swap3A_189, %swap3A_190] : memref<12x8x4096xf32, #tpu.memory_space<vmem>>, vector<1x1x4089xf32>
      %swap3A_192 = vector.shape_cast %swap3A_191 : vector<1x1x4089xf32> to vector<4089xf32>
      %swap3A_193 = vector.shape_cast %get3A_187 : vector<4089xf32> to vector<1x1x4089xf32>
      tpu.vector_store %arg4[%swap3A_188, %swap3A_189, %swap3A_190], %swap3A_193 {strides = array<i32>} : memref<12x8x4096xf32, #tpu.memory_space<vmem>>, vector<1x1x4089xf32>,
      %get3A_194 = arith.constant 2 : index
      %get3A_195 = arith.constant 0 : index
      %get3A_196 = vector.load %arg2[%get3A_194, %get3A_195] : memref<12x4096xf32, #tpu.memory_space<vmem>>, vector<1x4096xf32>
      %get3A_197 = vector.shape_cast %get3A_196 : vector<1x4096xf32> to vector<4096xf32>
      %swap3A_198 = arith.constant 2 : index
      %swap3A_199 = arith.constant 0 : index
      %swap3A_200 = arith.constant 0 : index
      %swap3A_201 = vector.load %arg4[%swap3A_198, %swap3A_199, %swap3A_200] : memref<12x8x4096xf32, #tpu.memory_space<vmem>>, vector<1x1x4096xf32>
      %swap3A_202 = vector.shape_cast %swap3A_201 : vector<1x1x4096xf32> to vector<4096xf32>
      %swap3A_203 = vector.shape_cast %get3A_197 : vector<4096xf32> to vector<1x1x4096xf32>
      tpu.vector_store %arg4[%swap3A_198, %swap3A_199, %swap3A_200], %swap3A_203 {strides = array<i32>} : memref<12x8x4096xf32, #tpu.memory_space<vmem>>, vector<1x1x4096xf32>,
      %get3A_204 = arith.constant 2 : index
      %get3A_205 = arith.constant 0 : index
      %get3A_206 = vector.load %arg2[%get3A_204, %get3A_205] : memref<12x4096xf32, #tpu.memory_space<vmem>>, vector<1x4095xf32>
      %get3A_207 = vector.shape_cast %get3A_206 : vector<1x4095xf32> to vector<4095xf32>
      %swap3A_208 = arith.constant 2 : index
      %swap3A_209 = arith.constant 1 : index
      %swap3A_210 = arith.constant 1 : index
      %swap3A_211 = vector.load %arg4[%swap3A_208, %swap3A_209, %swap3A_210] : memref<12x8x4096xf32, #tpu.memory_space<vmem>>, vector<1x1x4095xf32>
      %swap3A_212 = vector.shape_cast %swap3A_211 : vector<1x1x4095xf32> to vector<4095xf32>
      %swap3A_213 = vector.shape_cast %get3A_207 : vector<4095xf32> to vector<1x1x4095xf32>
      tpu.vector_store %arg4[%swap3A_208, %swap3A_209, %swap3A_210], %swap3A_213 {strides = array<i32>} : memref<12x8x4096xf32, #tpu.memory_space<vmem>>, vector<1x1x4095xf32>,
      %get3A_214 = arith.constant 2 : index
      %get3A_215 = arith.constant 0 : index
      %get3A_216 = vector.load %arg2[%get3A_214, %get3A_215] : memref<12x4096xf32, #tpu.memory_space<vmem>>, vector<1x4094xf32>
      %get3A_217 = vector.shape_cast %get3A_216 : vector<1x4094xf32> to vector<4094xf32>
      %swap3A_218 = arith.constant 2 : index
      %swap3A_219 = arith.constant 2 : index
      %swap3A_220 = arith.constant 2 : index
      %swap3A_221 = vector.load %arg4[%swap3A_218, %swap3A_219, %swap3A_220] : memref<12x8x4096xf32, #tpu.memory_space<vmem>>, vector<1x1x4094xf32>
      %swap3A_222 = vector.shape_cast %swap3A_221 : vector<1x1x4094xf32> to vector<4094xf32>
      %swap3A_223 = vector.shape_cast %get3A_217 : vector<4094xf32> to vector<1x1x4094xf32>
      tpu.vector_store %arg4[%swap3A_218, %swap3A_219, %swap3A_220], %swap3A_223 {strides = array<i32>} : memref<12x8x4096xf32, #tpu.memory_space<vmem>>, vector<1x1x4094xf32>,
      %get3A_224 = arith.constant 2 : index
      %get3A_225 = arith.constant 0 : index
      %get3A_226 = vector.load %arg2[%get3A_224, %get3A_225] : memref<12x4096xf32, #tpu.memory_space<vmem>>, vector<1x4093xf32>
      %get3A_227 = vector.shape_cast %get3A_226 : vector<1x4093xf32> to vector<4093xf32>
      %swap3A_228 = arith.constant 2 : index
      %swap3A_229 = arith.constant 3 : index
      %swap3A_230 = arith.constant 3 : index
      %swap3A_231 = vector.load %arg4[%swap3A_228, %swap3A_229, %swap3A_230] : memref<12x8x4096xf32, #tpu.memory_space<vmem>>, vector<1x1x4093xf32>
      %swap3A_232 = vector.shape_cast %swap3A_231 : vector<1x1x4093xf32> to vector<4093xf32>
      %swap3A_233 = vector.shape_cast %get3A_227 : vector<4093xf32> to vector<1x1x4093xf32>
      tpu.vector_store %arg4[%swap3A_228, %swap3A_229, %swap3A_230], %swap3A_233 {strides = array<i32>} : memref<12x8x4096xf32, #tpu.memory_space<vmem>>, vector<1x1x4093xf32>,
      %get3A_234 = arith.constant 2 : index
      %get3A_235 = arith.constant 0 : index
      %get3A_236 = vector.load %arg2[%get3A_234, %get3A_235] : memref<12x4096xf32, #tpu.memory_space<vmem>>, vector<1x4092xf32>
      %get3A_237 = vector.shape_cast %get3A_236 : vector<1x4092xf32> to vector<4092xf32>
      %swap3A_238 = arith.constant 2 : index
      %swap3A_239 = arith.constant 4 : index
      %swap3A_240 = arith.constant 4 : index
      %swap3A_241 = vector.load %arg4[%swap3A_238, %swap3A_239, %swap3A_240] : memref<12x8x4096xf32, #tpu.memory_space<vmem>>, vector<1x1x4092xf32>
      %swap3A_242 = vector.shape_cast %swap3A_241 : vector<1x1x4092xf32> to vector<4092xf32>
      %swap3A_243 = vector.shape_cast %get3A_237 : vector<4092xf32> to vector<1x1x4092xf32>
      tpu.vector_store %arg4[%swap3A_238, %swap3A_239, %swap3A_240], %swap3A_243 {strides = array<i32>} : memref<12x8x4096xf32, #tpu.memory_space<vmem>>, vector<1x1x4092xf32>,
      %get3A_244 = arith.constant 2 : index
      %get3A_245 = arith.constant 0 : index
      %get3A_246 = vector.load %arg2[%get3A_244, %get3A_245] : memref<12x4096xf32, #tpu.memory_space<vmem>>, vector<1x4091xf32>
      %get3A_247 = vector.shape_cast %get3A_246 : vector<1x4091xf32> to vector<4091xf32>
      %swap3A_248 = arith.constant 2 : index
      %swap3A_249 = arith.constant 5 : index
      %swap3A_250 = arith.constant 5 : index
      %swap3A_251 = vector.load %arg4[%swap3A_248, %swap3A_249, %swap3A_250] : memref<12x8x4096xf32, #tpu.memory_space<vmem>>, vector<1x1x4091xf32>
      %swap3A_252 = vector.shape_cast %swap3A_251 : vector<1x1x4091xf32> to vector<4091xf32>
      %swap3A_253 = vector.shape_cast %get3A_247 : vector<4091xf32> to vector<1x1x4091xf32>
      tpu.vector_store %arg4[%swap3A_248, %swap3A_249, %swap3A_250], %swap3A_253 {strides = array<i32>} : memref<12x8x4096xf32, #tpu.memory_space<vmem>>, vector<1x1x4091xf32>,
      %get3A_254 = arith.constant 2 : index
      %get3A_255 = arith.constant 0 : index
      %get3A_256 = vector.load %arg2[%get3A_254, %get3A_255] : memref<12x4096xf32, #tpu.memory_space<vmem>>, vector<1x4090xf32>
      %get3A_257 = vector.shape_cast %get3A_256 : vector<1x4090xf32> to vector<4090xf32>
      %swap3A_258 = arith.constant 2 : index
      %swap3A_259 = arith.constant 6 : index
      %swap3A_260 = arith.constant 6 : index
      %swap3A_261 = vector.load %arg4[%swap3A_258, %swap3A_259, %swap3A_260] : memref<12x8x4096xf32, #tpu.memory_space<vmem>>, vector<1x1x4090xf32>
      %swap3A_262 = vector.shape_cast %swap3A_261 : vector<1x1x4090xf32> to vector<4090xf32>
      %swap3A_263 = vector.shape_cast %get3A_257 : vector<4090xf32> to vector<1x1x4090xf32>
      tpu.vector_store %arg4[%swap3A_258, %swap3A_259, %swap3A_260], %swap3A_263 {strides = array<i32>} : memref<12x8x4096xf32, #tpu.memory_space<vmem>>, vector<1x1x4090xf32>,
      %get3A_264 = arith.constant 2 : index
      %get3A_265 = arith.constant 0 : index
      %get3A_266 = vector.load %arg2[%get3A_264, %get3A_265] : memref<12x4096xf32, #tpu.memory_space<vmem>>, vector<1x4089xf32>
      %get3A_267 = vector.shape_cast %get3A_266 : vector<1x4089xf32> to vector<4089xf32>
      %swap3A_268 = arith.constant 2 : index
      %swap3A_269 = arith.constant 7 : index
      %swap3A_270 = arith.constant 7 : index
      %swap3A_271 = vector.load %arg4[%swap3A_268, %swap3A_269, %swap3A_270] : memref<12x8x4096xf32, #tpu.memory_space<vmem>>, vector<1x1x4089xf32>
      %swap3A_272 = vector.shape_cast %swap3A_271 : vector<1x1x4089xf32> to vector<4089xf32>
      %swap3A_273 = vector.shape_cast %get3A_267 : vector<4089xf32> to vector<1x1x4089xf32>
      tpu.vector_store %arg4[%swap3A_268, %swap3A_269, %swap3A_270], %swap3A_273 {strides = array<i32>} : memref<12x8x4096xf32, #tpu.memory_space<vmem>>, vector<1x1x4089xf32>,
      %get3A_274 = arith.constant 3 : index
      %get3A_275 = arith.constant 0 : index
      %get3A_276 = vector.load %arg2[%get3A_274, %get3A_275] : memref<12x4096xf32, #tpu.memory_space<vmem>>, vector<1x4096xf32>
      %get3A_277 = vector.shape_cast %get3A_276 : vector<1x4096xf32> to vector<4096xf32>
      %swap3A_278 = arith.constant 3 : index
      %swap3A_279 = arith.constant 0 : index
      %swap3A_280 = arith.constant 0 : index
      %swap3A_281 = vector.load %arg4[%swap3A_278, %swap3A_279, %swap3A_280] : memref<12x8x4096xf32, #tpu.memory_space<vmem>>, vector<1x1x4096xf32>
      %swap3A_282 = vector.shape_cast %swap3A_281 : vector<1x1x4096xf32> to vector<4096xf32>
      %swap3A_283 = vector.shape_cast %get3A_277 : vector<4096xf32> to vector<1x1x4096xf32>
      tpu.vector_store %arg4[%swap3A_278, %swap3A_279, %swap3A_280], %swap3A_283 {strides = array<i32>} : memref<12x8x4096xf32, #tpu.memory_space<vmem>>, vector<1x1x4096xf32>,
      %get3A_284 = arith.constant 3 : index
      %get3A_285 = arith.constant 0 : index
      %get3A_286 = vector.load %arg2[%get3A_284, %get3A_285] : memref<12x4096xf32, #tpu.memory_space<vmem>>, vector<1x4095xf32>
      %get3A_287 = vector.shape_cast %get3A_286 : vector<1x4095xf32> to vector<4095xf32>
      %swap3A_288 = arith.constant 3 : index
      %swap3A_289 = arith.constant 1 : index
      %swap3A_290 = arith.constant 1 : index
      %swap3A_291 = vector.load %arg4[%swap3A_288, %swap3A_289, %swap3A_290] : memref<12x8x4096xf32, #tpu.memory_space<vmem>>, vector<1x1x4095xf32>
      %swap3A_292 = vector.shape_cast %swap3A_291 : vector<1x1x4095xf32> to vector<4095xf32>
      %swap3A_293 = vector.shape_cast %get3A_287 : vector<4095xf32> to vector<1x1x4095xf32>
      tpu.vector_store %arg4[%swap3A_288, %swap3A_289, %swap3A_290], %swap3A_293 {strides = array<i32>} : memref<12x8x4096xf32, #tpu.memory_space<vmem>>, vector<1x1x4095xf32>,
      %get3A_294 = arith.constant 3 : index
      %get3A_295 = arith.constant 0 : index
      %get3A_296 = vector.load %arg2[%get3A_294, %get3A_295] : memref<12x4096xf32, #tpu.memory_space<vmem>>, vector<1x4094xf32>
      %get3A_297 = vector.shape_cast %get3A_296 : vector<1x4094xf32> to vector<4094xf32>
      %swap3A_298 = arith.constant 3 : index
      %swap3A_299 = arith.constant 2 : index
      %swap3A_300 = arith.constant 2 : index
      %swap3A_301 = vector.load %arg4[%swap3A_298, %swap3A_299, %swap3A_300] : memref<12x8x4096xf32, #tpu.memory_space<vmem>>, vector<1x1x4094xf32>
      %swap3A_302 = vector.shape_cast %swap3A_301 : vector<1x1x4094xf32> to vector<4094xf32>
      %swap3A_303 = vector.shape_cast %get3A_297 : vector<4094xf32> to vector<1x1x4094xf32>
      tpu.vector_store %arg4[%swap3A_298, %swap3A_299, %swap3A_300], %swap3A_303 {strides = array<i32>} : memref<12x8x4096xf32, #tpu.memory_space<vmem>>, vector<1x1x4094xf32>,
      %get3A_304 = arith.constant 3 : index
      %get3A_305 = arith.constant 0 : index
      %get3A_306 = vector.load %arg2[%get3A_304, %get3A_305] : memref<12x4096xf32, #tpu.memory_space<vmem>>, vector<1x4093xf32>
      %get3A_307 = vector.shape_cast %get3A_306 : vector<1x4093xf32> to vector<4093xf32>
      %swap3A_308 = arith.constant 3 : index
      %swap3A_309 = arith.constant 3 : index
      %swap3A_310 = arith.constant 3 : index
      %swap3A_311 = vector.load %arg4[%swap3A_308, %swap3A_309, %swap3A_310] : memref<12x8x4096xf32, #tpu.memory_space<vmem>>, vector<1x1x4093xf32>
      %swap3A_312 = vector.shape_cast %swap3A_311 : vector<1x1x4093xf32> to vector<4093xf32>
      %swap3A_313 = vector.shape_cast %get3A_307 : vector<4093xf32> to vector<1x1x4093xf32>
      tpu.vector_store %arg4[%swap3A_308, %swap3A_309, %swap3A_310], %swap3A_313 {strides = array<i32>} : memref<12x8x4096xf32, #tpu.memory_space<vmem>>, vector<1x1x4093xf32>,
      %get3A_314 = arith.constant 3 : index
      %get3A_315 = arith.constant 0 : index
      %get3A_316 = vector.load %arg2[%get3A_314, %get3A_315] : memref<12x4096xf32, #tpu.memory_space<vmem>>, vector<1x4092xf32>
      %get3A_317 = vector.shape_cast %get3A_316 : vector<1x4092xf32> to vector<4092xf32>
      %swap3A_318 = arith.constant 3 : index
      %swap3A_319 = arith.constant 4 : index
      %swap3A_320 = arith.constant 4 : index
      %swap3A_321 = vector.load %arg4[%swap3A_318, %swap3A_319, %swap3A_320] : memref<12x8x4096xf32, #tpu.memory_space<vmem>>, vector<1x1x4092xf32>
      %swap3A_322 = vector.shape_cast %swap3A_321 : vector<1x1x4092xf32> to vector<4092xf32>
      %swap3A_323 = vector.shape_cast %get3A_317 : vector<4092xf32> to vector<1x1x4092xf32>
      tpu.vector_store %arg4[%swap3A_318, %swap3A_319, %swap3A_320], %swap3A_323 {strides = array<i32>} : memref<12x8x4096xf32, #tpu.memory_space<vmem>>, vector<1x1x4092xf32>,
      %get3A_324 = arith.constant 3 : index
      %get3A_325 = arith.constant 0 : index
      %get3A_326 = vector.load %arg2[%get3A_324, %get3A_325] : memref<12x4096xf32, #tpu.memory_space<vmem>>, vector<1x4091xf32>
      %get3A_327 = vector.shape_cast %get3A_326 : vector<1x4091xf32> to vector<4091xf32>
      %swap3A_328 = arith.constant 3 : index
      %swap3A_329 = arith.constant 5 : index
      %swap3A_330 = arith.constant 5 : index
      %swap3A_331 = vector.load %arg4[%swap3A_328, %swap3A_329, %swap3A_330] : memref<12x8x4096xf32, #tpu.memory_space<vmem>>, vector<1x1x4091xf32>
      %swap3A_332 = vector.shape_cast %swap3A_331 : vector<1x1x4091xf32> to vector<4091xf32>
      %swap3A_333 = vector.shape_cast %get3A_327 : vector<4091xf32> to vector<1x1x4091xf32>
      tpu.vector_store %arg4[%swap3A_328, %swap3A_329, %swap3A_330], %swap3A_333 {strides = array<i32>} : memref<12x8x4096xf32, #tpu.memory_space<vmem>>, vector<1x1x4091xf32>,
      %get3A_334 = arith.constant 3 : index
      %get3A_335 = arith.constant 0 : index
      %get3A_336 = vector.load %arg2[%get3A_334, %get3A_335] : memref<12x4096xf32, #tpu.memory_space<vmem>>, vector<1x4090xf32>
      %get3A_337 = vector.shape_cast %get3A_336 : vector<1x4090xf32> to vector<4090xf32>
      %swap3A_338 = arith.constant 3 : index
      %swap3A_339 = arith.constant 6 : index
      %swap3A_340 = arith.constant 6 : index
      %swap3A_341 = vector.load %arg4[%swap3A_338, %swap3A_339, %swap3A_340] : memref<12x8x4096xf32, #tpu.memory_space<vmem>>, vector<1x1x4090xf32>
      %swap3A_342 = vector.shape_cast %swap3A_341 : vector<1x1x4090xf32> to vector<4090xf32>
      %swap3A_343 = vector.shape_cast %get3A_337 : vector<4090xf32> to vector<1x1x4090xf32>
      tpu.vector_store %arg4[%swap3A_338, %swap3A_339, %swap3A_340], %swap3A_343 {strides = array<i32>} : memref<12x8x4096xf32, #tpu.memory_space<vmem>>, vector<1x1x4090xf32>,
      %get3A_344 = arith.constant 3 : index
      %get3A_345 = arith.constant 0 : index
      %get3A_346 = vector.load %arg2[%get3A_344, %get3A_345] : memref<12x4096xf32, #tpu.memory_space<vmem>>, vector<1x4089xf32>
      %get3A_347 = vector.shape_cast %get3A_346 : vector<1x4089xf32> to vector<4089xf32>
      %swap3A_348 = arith.constant 3 : index
      %swap3A_349 = arith.constant 7 : index
      %swap3A_350 = arith.constant 7 : index
      %swap3A_351 = vector.load %arg4[%swap3A_348, %swap3A_349, %swap3A_350] : memref<12x8x4096xf32, #tpu.memory_space<vmem>>, vector<1x1x4089xf32>
      %swap3A_352 = vector.shape_cast %swap3A_351 : vector<1x1x4089xf32> to vector<4089xf32>
      %swap3A_353 = vector.shape_cast %get3A_347 : vector<4089xf32> to vector<1x1x4089xf32>
      tpu.vector_store %arg4[%swap3A_348, %swap3A_349, %swap3A_350], %swap3A_353 {strides = array<i32>} : memref<12x8x4096xf32, #tpu.memory_space<vmem>>, vector<1x1x4089xf32>,
      %get3A_354 = arith.constant 4 : index
      %get3A_355 = arith.constant 0 : index
      %get3A_356 = vector.load %arg2[%get3A_354, %get3A_355] : memref<12x4096xf32, #tpu.memory_space<vmem>>, vector<1x4096xf32>
      %get3A_357 = vector.shape_cast %get3A_356 : vector<1x4096xf32> to vector<4096xf32>
      %swap3A_358 = arith.constant 4 : index
      %swap3A_359 = arith.constant 0 : index
      %swap3A_360 = arith.constant 0 : index
      %swap3A_361 = vector.load %arg4[%swap3A_358, %swap3A_359, %swap3A_360] : memref<12x8x4096xf32, #tpu.memory_space<vmem>>, vector<1x1x4096xf32>
      %swap3A_362 = vector.shape_cast %swap3A_361 : vector<1x1x4096xf32> to vector<4096xf32>
      %swap3A_363 = vector.shape_cast %get3A_357 : vector<4096xf32> to vector<1x1x4096xf32>
      tpu.vector_store %arg4[%swap3A_358, %swap3A_359, %swap3A_360], %swap3A_363 {strides = array<i32>} : memref<12x8x4096xf32, #tpu.memory_space<vmem>>, vector<1x1x4096xf32>,
      %get3A_364 = arith.constant 4 : index
      %get3A_365 = arith.constant 0 : index
      %get3A_366 = vector.load %arg2[%get3A_364, %get3A_365] : memref<12x4096xf32, #tpu.memory_space<vmem>>, vector<1x4095xf32>
      %get3A_367 = vector.shape_cast %get3A_366 : vector<1x4095xf32> to vector<4095xf32>
      %swap3A_368 = arith.constant 4 : index
      %swap3A_369 = arith.constant 1 : index
      %swap3A_370 = arith.constant 1 : index
      %swap3A_371 = vector.load %arg4[%swap3A_368, %swap3A_369, %swap3A_370] : memref<12x8x4096xf32, #tpu.memory_space<vmem>>, vector<1x1x4095xf32>
      %swap3A_372 = vector.shape_cast %swap3A_371 : vector<1x1x4095xf32> to vector<4095xf32>
      %swap3A_373 = vector.shape_cast %get3A_367 : vector<4095xf32> to vector<1x1x4095xf32>
      tpu.vector_store %arg4[%swap3A_368, %swap3A_369, %swap3A_370], %swap3A_373 {strides = array<i32>} : memref<12x8x4096xf32, #tpu.memory_space<vmem>>, vector<1x1x4095xf32>,
      %get3A_374 = arith.constant 4 : index
      %get3A_375 = arith.constant 0 : index
      %get3A_376 = vector.load %arg2[%get3A_374, %get3A_375] : memref<12x4096xf32, #tpu.memory_space<vmem>>, vector<1x4094xf32>
      %get3A_377 = vector.shape_cast %get3A_376 : vector<1x4094xf32> to vector<4094xf32>
      %swap3A_378 = arith.constant 4 : index
      %swap3A_379 = arith.constant 2 : index
      %swap3A_380 = arith.constant 2 : index
      %swap3A_381 = vector.load %arg4[%swap3A_378, %swap3A_379, %swap3A_380] : memref<12x8x4096xf32, #tpu.memory_space<vmem>>, vector<1x1x4094xf32>
      %swap3A_382 = vector.shape_cast %swap3A_381 : vector<1x1x4094xf32> to vector<4094xf32>
      %swap3A_383 = vector.shape_cast %get3A_377 : vector<4094xf32> to vector<1x1x4094xf32>
      tpu.vector_store %arg4[%swap3A_378, %swap3A_379, %swap3A_380], %swap3A_383 {strides = array<i32>} : memref<12x8x4096xf32, #tpu.memory_space<vmem>>, vector<1x1x4094xf32>,
      %get3A_384 = arith.constant 4 : index
      %get3A_385 = arith.constant 0 : index
      %get3A_386 = vector.load %arg2[%get3A_384, %get3A_385] : memref<12x4096xf32, #tpu.memory_space<vmem>>, vector<1x4093xf32>
      %get3A_387 = vector.shape_cast %get3A_386 : vector<1x4093xf32> to vector<4093xf32>
      %swap3A_388 = arith.constant 4 : index
      %swap3A_389 = arith.constant 3 : index
      %swap3A_390 = arith.constant 3 : index
      %swap3A_391 = vector.load %arg4[%swap3A_388, %swap3A_389, %swap3A_390] : memref<12x8x4096xf32, #tpu.memory_space<vmem>>, vector<1x1x4093xf32>
      %swap3A_392 = vector.shape_cast %swap3A_391 : vector<1x1x4093xf32> to vector<4093xf32>
      %swap3A_393 = vector.shape_cast %get3A_387 : vector<4093xf32> to vector<1x1x4093xf32>
      tpu.vector_store %arg4[%swap3A_388, %swap3A_389, %swap3A_390], %swap3A_393 {strides = array<i32>} : memref<12x8x4096xf32, #tpu.memory_space<vmem>>, vector<1x1x4093xf32>,
      %get3A_394 = arith.constant 4 : index
      %get3A_395 = arith.constant 0 : index
      %get3A_396 = vector.load %arg2[%get3A_394, %get3A_395] : memref<12x4096xf32, #tpu.memory_space<vmem>>, vector<1x4092xf32>
      %get3A_397 = vector.shape_cast %get3A_396 : vector<1x4092xf32> to vector<4092xf32>
      %swap3A_398 = arith.constant 4 : index
      %swap3A_399 = arith.constant 4 : index
      %swap3A_400 = arith.constant 4 : index
      %swap3A_401 = vector.load %arg4[%swap3A_398, %swap3A_399, %swap3A_400] : memref<12x8x4096xf32, #tpu.memory_space<vmem>>, vector<1x1x4092xf32>
      %swap3A_402 = vector.shape_cast %swap3A_401 : vector<1x1x4092xf32> to vector<4092xf32>
      %swap3A_403 = vector.shape_cast %get3A_397 : vector<4092xf32> to vector<1x1x4092xf32>
      tpu.vector_store %arg4[%swap3A_398, %swap3A_399, %swap3A_400], %swap3A_403 {strides = array<i32>} : memref<12x8x4096xf32, #tpu.memory_space<vmem>>, vector<1x1x4092xf32>,
      %get3A_404 = arith.constant 4 : index
      %get3A_405 = arith.constant 0 : index
      %get3A_406 = vector.load %arg2[%get3A_404, %get3A_405] : memref<12x4096xf32, #tpu.memory_space<vmem>>, vector<1x4091xf32>
      %get3A_407 = vector.shape_cast %get3A_406 : vector<1x4091xf32> to vector<4091xf32>
      %swap3A_408 = arith.constant 4 : index
      %swap3A_409 = arith.constant 5 : index
      %swap3A_410 = arith.constant 5 : index
      %swap3A_411 = vector.load %arg4[%swap3A_408, %swap3A_409, %swap3A_410] : memref<12x8x4096xf32, #tpu.memory_space<vmem>>, vector<1x1x4091xf32>
      %swap3A_412 = vector.shape_cast %swap3A_411 : vector<1x1x4091xf32> to vector<4091xf32>
      %swap3A_413 = vector.shape_cast %get3A_407 : vector<4091xf32> to vector<1x1x4091xf32>
      tpu.vector_store %arg4[%swap3A_408, %swap3A_409, %swap3A_410], %swap3A_413 {strides = array<i32>} : memref<12x8x4096xf32, #tpu.memory_space<vmem>>, vector<1x1x4091xf32>,
      %get3A_414 = arith.constant 4 : index
      %get3A_415 = arith.constant 0 : index
      %get3A_416 = vector.load %arg2[%get3A_414, %get3A_415] : memref<12x4096xf32, #tpu.memory_space<vmem>>, vector<1x4090xf32>
      %get3A_417 = vector.shape_cast %get3A_416 : vector<1x4090xf32> to vector<4090xf32>
      %swap3A_418 = arith.constant 4 : index
      %swap3A_419 = arith.constant 6 : index
      %swap3A_420 = arith.constant 6 : index
      %swap3A_421 = vector.load %arg4[%swap3A_418, %swap3A_419, %swap3A_420] : memref<12x8x4096xf32, #tpu.memory_space<vmem>>, vector<1x1x4090xf32>
      %swap3A_422 = vector.shape_cast %swap3A_421 : vector<1x1x4090xf32> to vector<4090xf32>
      %swap3A_423 = vector.shape_cast %get3A_417 : vector<4090xf32> to vector<1x1x4090xf32>
      tpu.vector_store %arg4[%swap3A_418, %swap3A_419, %swap3A_420], %swap3A_423 {strides = array<i32>} : memref<12x8x4096xf32, #tpu.memory_space<vmem>>, vector<1x1x4090xf32>,
      %get3A_424 = arith.constant 4 : index
      %get3A_425 = arith.constant 0 : index
      %get3A_426 = vector.load %arg2[%get3A_424, %get3A_425] : memref<12x4096xf32, #tpu.memory_space<vmem>>, vector<1x4089xf32>
      %get3A_427 = vector.shape_cast %get3A_426 : vector<1x4089xf32> to vector<4089xf32>
      %swap3A_428 = arith.constant 4 : index
      %swap3A_429 = arith.constant 7 : index
      %swap3A_430 = arith.constant 7 : index
      %swap3A_431 = vector.load %arg4[%swap3A_428, %swap3A_429, %swap3A_430] : memref<12x8x4096xf32, #tpu.memory_space<vmem>>, vector<1x1x4089xf32>
      %swap3A_432 = vector.shape_cast %swap3A_431 : vector<1x1x4089xf32> to vector<4089xf32>
      %swap3A_433 = vector.shape_cast %get3A_427 : vector<4089xf32> to vector<1x1x4089xf32>
      tpu.vector_store %arg4[%swap3A_428, %swap3A_429, %swap3A_430], %swap3A_433 {strides = array<i32>} : memref<12x8x4096xf32, #tpu.memory_space<vmem>>, vector<1x1x4089xf32>,
      %get3A_434 = arith.constant 5 : index
      %get3A_435 = arith.constant 0 : index
      %get3A_436 = vector.load %arg2[%get3A_434, %get3A_435] : memref<12x4096xf32, #tpu.memory_space<vmem>>, vector<1x4096xf32>
      %get3A_437 = vector.shape_cast %get3A_436 : vector<1x4096xf32> to vector<4096xf32>
      %swap3A_438 = arith.constant 5 : index
      %swap3A_439 = arith.constant 0 : index
      %swap3A_440 = arith.constant 0 : index
      %swap3A_441 = vector.load %arg4[%swap3A_438, %swap3A_439, %swap3A_440] : memref<12x8x4096xf32, #tpu.memory_space<vmem>>, vector<1x1x4096xf32>
      %swap3A_442 = vector.shape_cast %swap3A_441 : vector<1x1x4096xf32> to vector<4096xf32>
      %swap3A_443 = vector.shape_cast %get3A_437 : vector<4096xf32> to vector<1x1x4096xf32>
      tpu.vector_store %arg4[%swap3A_438, %swap3A_439, %swap3A_440], %swap3A_443 {strides = array<i32>} : memref<12x8x4096xf32, #tpu.memory_space<vmem>>, vector<1x1x4096xf32>,
      %get3A_444 = arith.constant 5 : index
      %get3A_445 = arith.constant 0 : index
      %get3A_446 = vector.load %arg2[%get3A_444, %get3A_445] : memref<12x4096xf32, #tpu.memory_space<vmem>>, vector<1x4095xf32>
      %get3A_447 = vector.shape_cast %get3A_446 : vector<1x4095xf32> to vector<4095xf32>
      %swap3A_448 = arith.constant 5 : index
      %swap3A_449 = arith.constant 1 : index
      %swap3A_450 = arith.constant 1 : index
      %swap3A_451 = vector.load %arg4[%swap3A_448, %swap3A_449, %swap3A_450] : memref<12x8x4096xf32, #tpu.memory_space<vmem>>, vector<1x1x4095xf32>
      %swap3A_452 = vector.shape_cast %swap3A_451 : vector<1x1x4095xf32> to vector<4095xf32>
      %swap3A_453 = vector.shape_cast %get3A_447 : vector<4095xf32> to vector<1x1x4095xf32>
      tpu.vector_store %arg4[%swap3A_448, %swap3A_449, %swap3A_450], %swap3A_453 {strides = array<i32>} : memref<12x8x4096xf32, #tpu.memory_space<vmem>>, vector<1x1x4095xf32>,
      %get3A_454 = arith.constant 5 : index
      %get3A_455 = arith.constant 0 : index
      %get3A_456 = vector.load %arg2[%get3A_454, %get3A_455] : memref<12x4096xf32, #tpu.memory_space<vmem>>, vector<1x4094xf32>
      %get3A_457 = vector.shape_cast %get3A_456 : vector<1x4094xf32> to vector<4094xf32>
      %swap3A_458 = arith.constant 5 : index
      %swap3A_459 = arith.constant 2 : index
      %swap3A_460 = arith.constant 2 : index
      %swap3A_461 = vector.load %arg4[%swap3A_458, %swap3A_459, %swap3A_460] : memref<12x8x4096xf32, #tpu.memory_space<vmem>>, vector<1x1x4094xf32>
      %swap3A_462 = vector.shape_cast %swap3A_461 : vector<1x1x4094xf32> to vector<4094xf32>
      %swap3A_463 = vector.shape_cast %get3A_457 : vector<4094xf32> to vector<1x1x4094xf32>
      tpu.vector_store %arg4[%swap3A_458, %swap3A_459, %swap3A_460], %swap3A_463 {strides = array<i32>} : memref<12x8x4096xf32, #tpu.memory_space<vmem>>, vector<1x1x4094xf32>,
      %get3A_464 = arith.constant 5 : index
      %get3A_465 = arith.constant 0 : index
      %get3A_466 = vector.load %arg2[%get3A_464, %get3A_465] : memref<12x4096xf32, #tpu.memory_space<vmem>>, vector<1x4093xf32>
      %get3A_467 = vector.shape_cast %get3A_466 : vector<1x4093xf32> to vector<4093xf32>
      %swap3A_468 = arith.constant 5 : index
      %swap3A_469 = arith.constant 3 : index
      %swap3A_470 = arith.constant 3 : index
      %swap3A_471 = vector.load %arg4[%swap3A_468, %swap3A_469, %swap3A_470] : memref<12x8x4096xf32, #tpu.memory_space<vmem>>, vector<1x1x4093xf32>
      %swap3A_472 = vector.shape_cast %swap3A_471 : vector<1x1x4093xf32> to vector<4093xf32>
      %swap3A_473 = vector.shape_cast %get3A_467 : vector<4093xf32> to vector<1x1x4093xf32>
      tpu.vector_store %arg4[%swap3A_468, %swap3A_469, %swap3A_470], %swap3A_473 {strides = array<i32>} : memref<12x8x4096xf32, #tpu.memory_space<vmem>>, vector<1x1x4093xf32>,
      %get3A_474 = arith.constant 5 : index
      %get3A_475 = arith.constant 0 : index
      %get3A_476 = vector.load %arg2[%get3A_474, %get3A_475] : memref<12x4096xf32, #tpu.memory_space<vmem>>, vector<1x4092xf32>
      %get3A_477 = vector.shape_cast %get3A_476 : vector<1x4092xf32> to vector<4092xf32>
      %swap3A_478 = arith.constant 5 : index
      %swap3A_479 = arith.constant 4 : index
      %swap3A_480 = arith.constant 4 : index
      %swap3A_481 = vector.load %arg4[%swap3A_478, %swap3A_479, %swap3A_480] : memref<12x8x4096xf32, #tpu.memory_space<vmem>>, vector<1x1x4092xf32>
      %swap3A_482 = vector.shape_cast %swap3A_481 : vector<1x1x4092xf32> to vector<4092xf32>
      %swap3A_483 = vector.shape_cast %get3A_477 : vector<4092xf32> to vector<1x1x4092xf32>
      tpu.vector_store %arg4[%swap3A_478, %swap3A_479, %swap3A_480], %swap3A_483 {strides = array<i32>} : memref<12x8x4096xf32, #tpu.memory_space<vmem>>, vector<1x1x4092xf32>,
      %get3A_484 = arith.constant 5 : index
      %get3A_485 = arith.constant 0 : index
      %get3A_486 = vector.load %arg2[%get3A_484, %get3A_485] : memref<12x4096xf32, #tpu.memory_space<vmem>>, vector<1x4091xf32>
      %get3A_487 = vector.shape_cast %get3A_486 : vector<1x4091xf32> to vector<4091xf32>
      %swap3A_488 = arith.constant 5 : index
      %swap3A_489 = arith.constant 5 : index
      %swap3A_490 = arith.constant 5 : index
      %swap3A_491 = vector.load %arg4[%swap3A_488, %swap3A_489, %swap3A_490] : memref<12x8x4096xf32, #tpu.memory_space<vmem>>, vector<1x1x4091xf32>
      %swap3A_492 = vector.shape_cast %swap3A_491 : vector<1x1x4091xf32> to vector<4091xf32>
      %swap3A_493 = vector.shape_cast %get3A_487 : vector<4091xf32> to vector<1x1x4091xf32>
      tpu.vector_store %arg4[%swap3A_488, %swap3A_489, %swap3A_490], %swap3A_493 {strides = array<i32>} : memref<12x8x4096xf32, #tpu.memory_space<vmem>>, vector<1x1x4091xf32>,
      %get3A_494 = arith.constant 5 : index
      %get3A_495 = arith.constant 0 : index
      %get3A_496 = vector.load %arg2[%get3A_494, %get3A_495] : memref<12x4096xf32, #tpu.memory_space<vmem>>, vector<1x4090xf32>
      %get3A_497 = vector.shape_cast %get3A_496 : vector<1x4090xf32> to vector<4090xf32>
      %swap3A_498 = arith.constant 5 : index
      %swap3A_499 = arith.constant 6 : index
      %swap3A_500 = arith.constant 6 : index
      %swap3A_501 = vector.load %arg4[%swap3A_498, %swap3A_499, %swap3A_500] : memref<12x8x4096xf32, #tpu.memory_space<vmem>>, vector<1x1x4090xf32>
      %swap3A_502 = vector.shape_cast %swap3A_501 : vector<1x1x4090xf32> to vector<4090xf32>
      %swap3A_503 = vector.shape_cast %get3A_497 : vector<4090xf32> to vector<1x1x4090xf32>
      tpu.vector_store %arg4[%swap3A_498, %swap3A_499, %swap3A_500], %swap3A_503 {strides = array<i32>} : memref<12x8x4096xf32, #tpu.memory_space<vmem>>, vector<1x1x4090xf32>,
      %get3A_504 = arith.constant 5 : index
      %get3A_505 = arith.constant 0 : index
      %get3A_506 = vector.load %arg2[%get3A_504, %get3A_505] : memref<12x4096xf32, #tpu.memory_space<vmem>>, vector<1x4089xf32>
      %get3A_507 = vector.shape_cast %get3A_506 : vector<1x4089xf32> to vector<4089xf32>
      %swap3A_508 = arith.constant 5 : index
      %swap3A_509 = arith.constant 7 : index
      %swap3A_510 = arith.constant 7 : index
      %swap3A_511 = vector.load %arg4[%swap3A_508, %swap3A_509, %swap3A_510] : memref<12x8x4096xf32, #tpu.memory_space<vmem>>, vector<1x1x4089xf32>
      %swap3A_512 = vector.shape_cast %swap3A_511 : vector<1x1x4089xf32> to vector<4089xf32>
      %swap3A_513 = vector.shape_cast %get3A_507 : vector<4089xf32> to vector<1x1x4089xf32>
      tpu.vector_store %arg4[%swap3A_508, %swap3A_509, %swap3A_510], %swap3A_513 {strides = array<i32>} : memref<12x8x4096xf32, #tpu.memory_space<vmem>>, vector<1x1x4089xf32>,
      %get3A_514 = arith.constant 6 : index
      %get3A_515 = arith.constant 0 : index
      %get3A_516 = vector.load %arg2[%get3A_514, %get3A_515] : memref<12x4096xf32, #tpu.memory_space<vmem>>, vector<1x4096xf32>
      %get3A_517 = vector.shape_cast %get3A_516 : vector<1x4096xf32> to vector<4096xf32>
      %swap3A_518 = arith.constant 6 : index
      %swap3A_519 = arith.constant 0 : index
      %swap3A_520 = arith.constant 0 : index
      %swap3A_521 = vector.load %arg4[%swap3A_518, %swap3A_519, %swap3A_520] : memref<12x8x4096xf32, #tpu.memory_space<vmem>>, vector<1x1x4096xf32>
      %swap3A_522 = vector.shape_cast %swap3A_521 : vector<1x1x4096xf32> to vector<4096xf32>
      %swap3A_523 = vector.shape_cast %get3A_517 : vector<4096xf32> to vector<1x1x4096xf32>
      tpu.vector_store %arg4[%swap3A_518, %swap3A_519, %swap3A_520], %swap3A_523 {strides = array<i32>} : memref<12x8x4096xf32, #tpu.memory_space<vmem>>, vector<1x1x4096xf32>,
      %get3A_524 = arith.constant 6 : index
      %get3A_525 = arith.constant 0 : index
      %get3A_526 = vector.load %arg2[%get3A_524, %get3A_525] : memref<12x4096xf32, #tpu.memory_space<vmem>>, vector<1x4095xf32>
      %get3A_527 = vector.shape_cast %get3A_526 : vector<1x4095xf32> to vector<4095xf32>
      %swap3A_528 = arith.constant 6 : index
      %swap3A_529 = arith.constant 1 : index
      %swap3A_530 = arith.constant 1 : index
      %swap3A_531 = vector.load %arg4[%swap3A_528, %swap3A_529, %swap3A_530] : memref<12x8x4096xf32, #tpu.memory_space<vmem>>, vector<1x1x4095xf32>
      %swap3A_532 = vector.shape_cast %swap3A_531 : vector<1x1x4095xf32> to vector<4095xf32>
      %swap3A_533 = vector.shape_cast %get3A_527 : vector<4095xf32> to vector<1x1x4095xf32>
      tpu.vector_store %arg4[%swap3A_528, %swap3A_529, %swap3A_530], %swap3A_533 {strides = array<i32>} : memref<12x8x4096xf32, #tpu.memory_space<vmem>>, vector<1x1x4095xf32>,
      %get3A_534 = arith.constant 6 : index
      %get3A_535 = arith.constant 0 : index
      %get3A_536 = vector.load %arg2[%get3A_534, %get3A_535] : memref<12x4096xf32, #tpu.memory_space<vmem>>, vector<1x4094xf32>
      %get3A_537 = vector.shape_cast %get3A_536 : vector<1x4094xf32> to vector<4094xf32>
      %swap3A_538 = arith.constant 6 : index
      %swap3A_539 = arith.constant 2 : index
      %swap3A_540 = arith.constant 2 : index
      %swap3A_541 = vector.load %arg4[%swap3A_538, %swap3A_539, %swap3A_540] : memref<12x8x4096xf32, #tpu.memory_space<vmem>>, vector<1x1x4094xf32>
      %swap3A_542 = vector.shape_cast %swap3A_541 : vector<1x1x4094xf32> to vector<4094xf32>
      %swap3A_543 = vector.shape_cast %get3A_537 : vector<4094xf32> to vector<1x1x4094xf32>
      tpu.vector_store %arg4[%swap3A_538, %swap3A_539, %swap3A_540], %swap3A_543 {strides = array<i32>} : memref<12x8x4096xf32, #tpu.memory_space<vmem>>, vector<1x1x4094xf32>,
      %get3A_544 = arith.constant 6 : index
      %get3A_545 = arith.constant 0 : index
      %get3A_546 = vector.load %arg2[%get3A_544, %get3A_545] : memref<12x4096xf32, #tpu.memory_space<vmem>>, vector<1x4093xf32>
      %get3A_547 = vector.shape_cast %get3A_546 : vector<1x4093xf32> to vector<4093xf32>
      %swap3A_548 = arith.constant 6 : index
      %swap3A_549 = arith.constant 3 : index
      %swap3A_550 = arith.constant 3 : index
      %swap3A_551 = vector.load %arg4[%swap3A_548, %swap3A_549, %swap3A_550] : memref<12x8x4096xf32, #tpu.memory_space<vmem>>, vector<1x1x4093xf32>
      %swap3A_552 = vector.shape_cast %swap3A_551 : vector<1x1x4093xf32> to vector<4093xf32>
      %swap3A_553 = vector.shape_cast %get3A_547 : vector<4093xf32> to vector<1x1x4093xf32>
      tpu.vector_store %arg4[%swap3A_548, %swap3A_549, %swap3A_550], %swap3A_553 {strides = array<i32>} : memref<12x8x4096xf32, #tpu.memory_space<vmem>>, vector<1x1x4093xf32>,
      %get3A_554 = arith.constant 6 : index
      %get3A_555 = arith.constant 0 : index
      %get3A_556 = vector.load %arg2[%get3A_554, %get3A_555] : memref<12x4096xf32, #tpu.memory_space<vmem>>, vector<1x4092xf32>
      %get3A_557 = vector.shape_cast %get3A_556 : vector<1x4092xf32> to vector<4092xf32>
      %swap3A_558 = arith.constant 6 : index
      %swap3A_559 = arith.constant 4 : index
      %swap3A_560 = arith.constant 4 : index
      %swap3A_561 = vector.load %arg4[%swap3A_558, %swap3A_559, %swap3A_560] : memref<12x8x4096xf32, #tpu.memory_space<vmem>>, vector<1x1x4092xf32>
      %swap3A_562 = vector.shape_cast %swap3A_561 : vector<1x1x4092xf32> to vector<4092xf32>
      %swap3A_563 = vector.shape_cast %get3A_557 : vector<4092xf32> to vector<1x1x4092xf32>
      tpu.vector_store %arg4[%swap3A_558, %swap3A_559, %swap3A_560], %swap3A_563 {strides = array<i32>} : memref<12x8x4096xf32, #tpu.memory_space<vmem>>, vector<1x1x4092xf32>,
      %get3A_564 = arith.constant 6 : index
      %get3A_565 = arith.constant 0 : index
      %get3A_566 = vector.load %arg2[%get3A_564, %get3A_565] : memref<12x4096xf32, #tpu.memory_space<vmem>>, vector<1x4091xf32>
      %get3A_567 = vector.shape_cast %get3A_566 : vector<1x4091xf32> to vector<4091xf32>
      %swap3A_568 = arith.constant 6 : index
      %swap3A_569 = arith.constant 5 : index
      %swap3A_570 = arith.constant 5 : index
      %swap3A_571 = vector.load %arg4[%swap3A_568, %swap3A_569, %swap3A_570] : memref<12x8x4096xf32, #tpu.memory_space<vmem>>, vector<1x1x4091xf32>
      %swap3A_572 = vector.shape_cast %swap3A_571 : vector<1x1x4091xf32> to vector<4091xf32>
      %swap3A_573 = vector.shape_cast %get3A_567 : vector<4091xf32> to vector<1x1x4091xf32>
      tpu.vector_store %arg4[%swap3A_568, %swap3A_569, %swap3A_570], %swap3A_573 {strides = array<i32>} : memref<12x8x4096xf32, #tpu.memory_space<vmem>>, vector<1x1x4091xf32>,
      %get3A_574 = arith.constant 6 : index
      %get3A_575 = arith.constant 0 : index
      %get3A_576 = vector.load %arg2[%get3A_574, %get3A_575] : memref<12x4096xf32, #tpu.memory_space<vmem>>, vector<1x4090xf32>
      %get3A_577 = vector.shape_cast %get3A_576 : vector<1x4090xf32> to vector<4090xf32>
      %swap3A_578 = arith.constant 6 : index
      %swap3A_579 = arith.constant 6 : index
      %swap3A_580 = arith.constant 6 : index
      %swap3A_581 = vector.load %arg4[%swap3A_578, %swap3A_579, %swap3A_580] : memref<12x8x4096xf32, #tpu.memory_space<vmem>>, vector<1x1x4090xf32>
      %swap3A_582 = vector.shape_cast %swap3A_581 : vector<1x1x4090xf32> to vector<4090xf32>
      %swap3A_583 = vector.shape_cast %get3A_577 : vector<4090xf32> to vector<1x1x4090xf32>
      tpu.vector_store %arg4[%swap3A_578, %swap3A_579, %swap3A_580], %swap3A_583 {strides = array<i32>} : memref<12x8x4096xf32, #tpu.memory_space<vmem>>, vector<1x1x4090xf32>,
      %get3A_584 = arith.constant 6 : index
      %get3A_585 = arith.constant 0 : index
      %get3A_586 = vector.load %arg2[%get3A_584, %get3A_585] : memref<12x4096xf32, #tpu.memory_space<vmem>>, vector<1x4089xf32>
      %get3A_587 = vector.shape_cast %get3A_586 : vector<1x4089xf32> to vector<4089xf32>
      %swap3A_588 = arith.constant 6 : index
      %swap3A_589 = arith.constant 7 : index
      %swap3A_590 = arith.constant 7 : index
      %swap3A_591 = vector.load %arg4[%swap3A_588, %swap3A_589, %swap3A_590] : memref<12x8x4096xf32, #tpu.memory_space<vmem>>, vector<1x1x4089xf32>
      %swap3A_592 = vector.shape_cast %swap3A_591 : vector<1x1x4089xf32> to vector<4089xf32>
      %swap3A_593 = vector.shape_cast %get3A_587 : vector<4089xf32> to vector<1x1x4089xf32>
      tpu.vector_store %arg4[%swap3A_588, %swap3A_589, %swap3A_590], %swap3A_593 {strides = array<i32>} : memref<12x8x4096xf32, #tpu.memory_space<vmem>>, vector<1x1x4089xf32>,
      %get3A_594 = arith.constant 7 : index
      %get3A_595 = arith.constant 0 : index
      %get3A_596 = vector.load %arg2[%get3A_594, %get3A_595] : memref<12x4096xf32, #tpu.memory_space<vmem>>, vector<1x4096xf32>
      %get3A_597 = vector.shape_cast %get3A_596 : vector<1x4096xf32> to vector<4096xf32>
      %swap3A_598 = arith.constant 7 : index
      %swap3A_599 = arith.constant 0 : index
      %swap3A_600 = arith.constant 0 : index
      %swap3A_601 = vector.load %arg4[%swap3A_598, %swap3A_599, %swap3A_600] : memref<12x8x4096xf32, #tpu.memory_space<vmem>>, vector<1x1x4096xf32>
      %swap3A_602 = vector.shape_cast %swap3A_601 : vector<1x1x4096xf32> to vector<4096xf32>
      %swap3A_603 = vector.shape_cast %get3A_597 : vector<4096xf32> to vector<1x1x4096xf32>
      tpu.vector_store %arg4[%swap3A_598, %swap3A_599, %swap3A_600], %swap3A_603 {strides = array<i32>} : memref<12x8x4096xf32, #tpu.memory_space<vmem>>, vector<1x1x4096xf32>,
      %get3A_604 = arith.constant 7 : index
      %get3A_605 = arith.constant 0 : index
      %get3A_606 = vector.load %arg2[%get3A_604, %get3A_605] : memref<12x4096xf32, #tpu.memory_space<vmem>>, vector<1x4095xf32>
      %get3A_607 = vector.shape_cast %get3A_606 : vector<1x4095xf32> to vector<4095xf32>
      %swap3A_608 = arith.constant 7 : index
      %swap3A_609 = arith.constant 1 : index
      %swap3A_610 = arith.constant 1 : index
      %swap3A_611 = vector.load %arg4[%swap3A_608, %swap3A_609, %swap3A_610] : memref<12x8x4096xf32, #tpu.memory_space<vmem>>, vector<1x1x4095xf32>
      %swap3A_612 = vector.shape_cast %swap3A_611 : vector<1x1x4095xf32> to vector<4095xf32>
      %swap3A_613 = vector.shape_cast %get3A_607 : vector<4095xf32> to vector<1x1x4095xf32>
      tpu.vector_store %arg4[%swap3A_608, %swap3A_609, %swap3A_610], %swap3A_613 {strides = array<i32>} : memref<12x8x4096xf32, #tpu.memory_space<vmem>>, vector<1x1x4095xf32>,
      %get3A_614 = arith.constant 7 : index
      %get3A_615 = arith.constant 0 : index
      %get3A_616 = vector.load %arg2[%get3A_614, %get3A_615] : memref<12x4096xf32, #tpu.memory_space<vmem>>, vector<1x4094xf32>
      %get3A_617 = vector.shape_cast %get3A_616 : vector<1x4094xf32> to vector<4094xf32>
      %swap3A_618 = arith.constant 7 : index
      %swap3A_619 = arith.constant 2 : index
      %swap3A_620 = arith.constant 2 : index
      %swap3A_621 = vector.load %arg4[%swap3A_618, %swap3A_619, %swap3A_620] : memref<12x8x4096xf32, #tpu.memory_space<vmem>>, vector<1x1x4094xf32>
      %swap3A_622 = vector.shape_cast %swap3A_621 : vector<1x1x4094xf32> to vector<4094xf32>
      %swap3A_623 = vector.shape_cast %get3A_617 : vector<4094xf32> to vector<1x1x4094xf32>
      tpu.vector_store %arg4[%swap3A_618, %swap3A_619, %swap3A_620], %swap3A_623 {strides = array<i32>} : memref<12x8x4096xf32, #tpu.memory_space<vmem>>, vector<1x1x4094xf32>,
      %get3A_624 = arith.constant 7 : index
      %get3A_625 = arith.constant 0 : index
      %get3A_626 = vector.load %arg2[%get3A_624, %get3A_625] : memref<12x4096xf32, #tpu.memory_space<vmem>>, vector<1x4093xf32>
      %get3A_627 = vector.shape_cast %get3A_626 : vector<1x4093xf32> to vector<4093xf32>
      %swap3A_628 = arith.constant 7 : index
      %swap3A_629 = arith.constant 3 : index
      %swap3A_630 = arith.constant 3 : index
      %swap3A_631 = vector.load %arg4[%swap3A_628, %swap3A_629, %swap3A_630] : memref<12x8x4096xf32, #tpu.memory_space<vmem>>, vector<1x1x4093xf32>
      %swap3A_632 = vector.shape_cast %swap3A_631 : vector<1x1x4093xf32> to vector<4093xf32>
      %swap3A_633 = vector.shape_cast %get3A_627 : vector<4093xf32> to vector<1x1x4093xf32>
      tpu.vector_store %arg4[%swap3A_628, %swap3A_629, %swap3A_630], %swap3A_633 {strides = array<i32>} : memref<12x8x4096xf32, #tpu.memory_space<vmem>>, vector<1x1x4093xf32>,
      %get3A_634 = arith.constant 7 : index
      %get3A_635 = arith.constant 0 : index
      %get3A_636 = vector.load %arg2[%get3A_634, %get3A_635] : memref<12x4096xf32, #tpu.memory_space<vmem>>, vector<1x4092xf32>
      %get3A_637 = vector.shape_cast %get3A_636 : vector<1x4092xf32> to vector<4092xf32>
      %swap3A_638 = arith.constant 7 : index
      %swap3A_639 = arith.constant 4 : index
      %swap3A_640 = arith.constant 4 : index
      %swap3A_641 = vector.load %arg4[%swap3A_638, %swap3A_639, %swap3A_640] : memref<12x8x4096xf32, #tpu.memory_space<vmem>>, vector<1x1x4092xf32>
      %swap3A_642 = vector.shape_cast %swap3A_641 : vector<1x1x4092xf32> to vector<4092xf32>
      %swap3A_643 = vector.shape_cast %get3A_637 : vector<4092xf32> to vector<1x1x4092xf32>
      tpu.vector_store %arg4[%swap3A_638, %swap3A_639, %swap3A_640], %swap3A_643 {strides = array<i32>} : memref<12x8x4096xf32, #tpu.memory_space<vmem>>, vector<1x1x4092xf32>,
      %get3A_644 = arith.constant 7 : index
      %get3A_645 = arith.constant 0 : index
      %get3A_646 = vector.load %arg2[%get3A_644, %get3A_645] : memref<12x4096xf32, #tpu.memory_space<vmem>>, vector<1x4091xf32>
      %get3A_647 = vector.shape_cast %get3A_646 : vector<1x4091xf32> to vector<4091xf32>
      %swap3A_648 = arith.constant 7 : index
      %swap3A_649 = arith.constant 5 : index
      %swap3A_650 = arith.constant 5 : index
      %swap3A_651 = vector.load %arg4[%swap3A_648, %swap3A_649, %swap3A_650] : memref<12x8x4096xf32, #tpu.memory_space<vmem>>, vector<1x1x4091xf32>
      %swap3A_652 = vector.shape_cast %swap3A_651 : vector<1x1x4091xf32> to vector<4091xf32>
      %swap3A_653 = vector.shape_cast %get3A_647 : vector<4091xf32> to vector<1x1x4091xf32>
      tpu.vector_store %arg4[%swap3A_648, %swap3A_649, %swap3A_650], %swap3A_653 {strides = array<i32>} : memref<12x8x4096xf32, #tpu.memory_space<vmem>>, vector<1x1x4091xf32>,
      %get3A_654 = arith.constant 7 : index
      %get3A_655 = arith.constant 0 : index
      %get3A_656 = vector.load %arg2[%get3A_654, %get3A_655] : memref<12x4096xf32, #tpu.memory_space<vmem>>, vector<1x4090xf32>
      %get3A_657 = vector.shape_cast %get3A_656 : vector<1x4090xf32> to vector<4090xf32>
      %swap3A_658 = arith.constant 7 : index
      %swap3A_659 = arith.constant 6 : index
      %swap3A_660 = arith.constant 6 : index
      %swap3A_661 = vector.load %arg4[%swap3A_658, %swap3A_659, %swap3A_660] : memref<12x8x4096xf32, #tpu.memory_space<vmem>>, vector<1x1x4090xf32>
      %swap3A_662 = vector.shape_cast %swap3A_661 : vector<1x1x4090xf32> to vector<4090xf32>
      %swap3A_663 = vector.shape_cast %get3A_657 : vector<4090xf32> to vector<1x1x4090xf32>
      tpu.vector_store %arg4[%swap3A_658, %swap3A_659, %swap3A_660], %swap3A_663 {strides = array<i32>} : memref<12x8x4096xf32, #tpu.memory_space<vmem>>, vector<1x1x4090xf32>,
      %get3A_664 = arith.constant 7 : index
      %get3A_665 = arith.constant 0 : index
      %get3A_666 = vector.load %arg2[%get3A_664, %get3A_665] : memref<12x4096xf32, #tpu.memory_space<vmem>>, vector<1x4089xf32>
      %get3A_667 = vector.shape_cast %get3A_666 : vector<1x4089xf32> to vector<4089xf32>
      %swap3A_668 = arith.constant 7 : index
      %swap3A_669 = arith.constant 7 : index
      %swap3A_670 = arith.constant 7 : index
      %swap3A_671 = vector.load %arg4[%swap3A_668, %swap3A_669, %swap3A_670] : memref<12x8x4096xf32, #tpu.memory_space<vmem>>, vector<1x1x4089xf32>
      %swap3A_672 = vector.shape_cast %swap3A_671 : vector<1x1x4089xf32> to vector<4089xf32>
      %swap3A_673 = vector.shape_cast %get3A_667 : vector<4089xf32> to vector<1x1x4089xf32>
      tpu.vector_store %arg4[%swap3A_668, %swap3A_669, %swap3A_670], %swap3A_673 {strides = array<i32>} : memref<12x8x4096xf32, #tpu.memory_space<vmem>>, vector<1x1x4089xf32>,
      %get3A_674 = arith.constant 8 : index
      %get3A_675 = arith.constant 0 : index
      %get3A_676 = vector.load %arg2[%get3A_674, %get3A_675] : memref<12x4096xf32, #tpu.memory_space<vmem>>, vector<1x4096xf32>
      %get3A_677 = vector.shape_cast %get3A_676 : vector<1x4096xf32> to vector<4096xf32>
      %swap3A_678 = arith.constant 8 : index
      %swap3A_679 = arith.constant 0 : index
      %swap3A_680 = arith.constant 0 : index
      %swap3A_681 = vector.load %arg4[%swap3A_678, %swap3A_679, %swap3A_680] : memref<12x8x4096xf32, #tpu.memory_space<vmem>>, vector<1x1x4096xf32>
      %swap3A_682 = vector.shape_cast %swap3A_681 : vector<1x1x4096xf32> to vector<4096xf32>
      %swap3A_683 = vector.shape_cast %get3A_677 : vector<4096xf32> to vector<1x1x4096xf32>
      tpu.vector_store %arg4[%swap3A_678, %swap3A_679, %swap3A_680], %swap3A_683 {strides = array<i32>} : memref<12x8x4096xf32, #tpu.memory_space<vmem>>, vector<1x1x4096xf32>,
      %get3A_684 = arith.constant 8 : index
      %get3A_685 = arith.constant 0 : index
      %get3A_686 = vector.load %arg2[%get3A_684, %get3A_685] : memref<12x4096xf32, #tpu.memory_space<vmem>>, vector<1x4095xf32>
      %get3A_687 = vector.shape_cast %get3A_686 : vector<1x4095xf32> to vector<4095xf32>
      %swap3A_688 = arith.constant 8 : index
      %swap3A_689 = arith.constant 1 : index
      %swap3A_690 = arith.constant 1 : index
      %swap3A_691 = vector.load %arg4[%swap3A_688, %swap3A_689, %swap3A_690] : memref<12x8x4096xf32, #tpu.memory_space<vmem>>, vector<1x1x4095xf32>
      %swap3A_692 = vector.shape_cast %swap3A_691 : vector<1x1x4095xf32> to vector<4095xf32>
      %swap3A_693 = vector.shape_cast %get3A_687 : vector<4095xf32> to vector<1x1x4095xf32>
      tpu.vector_store %arg4[%swap3A_688, %swap3A_689, %swap3A_690], %swap3A_693 {strides = array<i32>} : memref<12x8x4096xf32, #tpu.memory_space<vmem>>, vector<1x1x4095xf32>,
      %get3A_694 = arith.constant 8 : index
      %get3A_695 = arith.constant 0 : index
      %get3A_696 = vector.load %arg2[%get3A_694, %get3A_695] : memref<12x4096xf32, #tpu.memory_space<vmem>>, vector<1x4094xf32>
      %get3A_697 = vector.shape_cast %get3A_696 : vector<1x4094xf32> to vector<4094xf32>
      %swap3A_698 = arith.constant 8 : index
      %swap3A_699 = arith.constant 2 : index
      %swap3A_700 = arith.constant 2 : index
      %swap3A_701 = vector.load %arg4[%swap3A_698, %swap3A_699, %swap3A_700] : memref<12x8x4096xf32, #tpu.memory_space<vmem>>, vector<1x1x4094xf32>
      %swap3A_702 = vector.shape_cast %swap3A_701 : vector<1x1x4094xf32> to vector<4094xf32>
      %swap3A_703 = vector.shape_cast %get3A_697 : vector<4094xf32> to vector<1x1x4094xf32>
      tpu.vector_store %arg4[%swap3A_698, %swap3A_699, %swap3A_700], %swap3A_703 {strides = array<i32>} : memref<12x8x4096xf32, #tpu.memory_space<vmem>>, vector<1x1x4094xf32>,
      %get3A_704 = arith.constant 8 : index
      %get3A_705 = arith.constant 0 : index
      %get3A_706 = vector.load %arg2[%get3A_704, %get3A_705] : memref<12x4096xf32, #tpu.memory_space<vmem>>, vector<1x4093xf32>
      %get3A_707 = vector.shape_cast %get3A_706 : vector<1x4093xf32> to vector<4093xf32>
      %swap3A_708 = arith.constant 8 : index
      %swap3A_709 = arith.constant 3 : index
      %swap3A_710 = arith.constant 3 : index
      %swap3A_711 = vector.load %arg4[%swap3A_708, %swap3A_709, %swap3A_710] : memref<12x8x4096xf32, #tpu.memory_space<vmem>>, vector<1x1x4093xf32>
      %swap3A_712 = vector.shape_cast %swap3A_711 : vector<1x1x4093xf32> to vector<4093xf32>
      %swap3A_713 = vector.shape_cast %get3A_707 : vector<4093xf32> to vector<1x1x4093xf32>
      tpu.vector_store %arg4[%swap3A_708, %swap3A_709, %swap3A_710], %swap3A_713 {strides = array<i32>} : memref<12x8x4096xf32, #tpu.memory_space<vmem>>, vector<1x1x4093xf32>,
      %get3A_714 = arith.constant 8 : index
      %get3A_715 = arith.constant 0 : index
      %get3A_716 = vector.load %arg2[%get3A_714, %get3A_715] : memref<12x4096xf32, #tpu.memory_space<vmem>>, vector<1x4092xf32>
      %get3A_717 = vector.shape_cast %get3A_716 : vector<1x4092xf32> to vector<4092xf32>
      %swap3A_718 = arith.constant 8 : index
      %swap3A_719 = arith.constant 4 : index
      %swap3A_720 = arith.constant 4 : index
      %swap3A_721 = vector.load %arg4[%swap3A_718, %swap3A_719, %swap3A_720] : memref<12x8x4096xf32, #tpu.memory_space<vmem>>, vector<1x1x4092xf32>
      %swap3A_722 = vector.shape_cast %swap3A_721 : vector<1x1x4092xf32> to vector<4092xf32>
      %swap3A_723 = vector.shape_cast %get3A_717 : vector<4092xf32> to vector<1x1x4092xf32>
      tpu.vector_store %arg4[%swap3A_718, %swap3A_719, %swap3A_720], %swap3A_723 {strides = array<i32>} : memref<12x8x4096xf32, #tpu.memory_space<vmem>>, vector<1x1x4092xf32>,
      %get3A_724 = arith.constant 8 : index
      %get3A_725 = arith.constant 0 : index
      %get3A_726 = vector.load %arg2[%get3A_724, %get3A_725] : memref<12x4096xf32, #tpu.memory_space<vmem>>, vector<1x4091xf32>
      %get3A_727 = vector.shape_cast %get3A_726 : vector<1x4091xf32> to vector<4091xf32>
      %swap3A_728 = arith.constant 8 : index
      %swap3A_729 = arith.constant 5 : index
      %swap3A_730 = arith.constant 5 : index
      %swap3A_731 = vector.load %arg4[%swap3A_728, %swap3A_729, %swap3A_730] : memref<12x8x4096xf32, #tpu.memory_space<vmem>>, vector<1x1x4091xf32>
      %swap3A_732 = vector.shape_cast %swap3A_731 : vector<1x1x4091xf32> to vector<4091xf32>
      %swap3A_733 = vector.shape_cast %get3A_727 : vector<4091xf32> to vector<1x1x4091xf32>
      tpu.vector_store %arg4[%swap3A_728, %swap3A_729, %swap3A_730], %swap3A_733 {strides = array<i32>} : memref<12x8x4096xf32, #tpu.memory_space<vmem>>, vector<1x1x4091xf32>,
      %get3A_734 = arith.constant 8 : index
      %get3A_735 = arith.constant 0 : index
      %get3A_736 = vector.load %arg2[%get3A_734, %get3A_735] : memref<12x4096xf32, #tpu.memory_space<vmem>>, vector<1x4090xf32>
      %get3A_737 = vector.shape_cast %get3A_736 : vector<1x4090xf32> to vector<4090xf32>
      %swap3A_738 = arith.constant 8 : index
      %swap3A_739 = arith.constant 6 : index
      %swap3A_740 = arith.constant 6 : index
      %swap3A_741 = vector.load %arg4[%swap3A_738, %swap3A_739, %swap3A_740] : memref<12x8x4096xf32, #tpu.memory_space<vmem>>, vector<1x1x4090xf32>
      %swap3A_742 = vector.shape_cast %swap3A_741 : vector<1x1x4090xf32> to vector<4090xf32>
      %swap3A_743 = vector.shape_cast %get3A_737 : vector<4090xf32> to vector<1x1x4090xf32>
      tpu.vector_store %arg4[%swap3A_738, %swap3A_739, %swap3A_740], %swap3A_743 {strides = array<i32>} : memref<12x8x4096xf32, #tpu.memory_space<vmem>>, vector<1x1x4090xf32>,
      %get3A_744 = arith.constant 8 : index
      %get3A_745 = arith.constant 0 : index
      %get3A_746 = vector.load %arg2[%get3A_744, %get3A_745] : memref<12x4096xf32, #tpu.memory_space<vmem>>, vector<1x4089xf32>
      %get3A_747 = vector.shape_cast %get3A_746 : vector<1x4089xf32> to vector<4089xf32>
      %swap3A_748 = arith.constant 8 : index
      %swap3A_749 = arith.constant 7 : index
      %swap3A_750 = arith.constant 7 : index
      %swap3A_751 = vector.load %arg4[%swap3A_748, %swap3A_749, %swap3A_750] : memref<12x8x4096xf32, #tpu.memory_space<vmem>>, vector<1x1x4089xf32>
      %swap3A_752 = vector.shape_cast %swap3A_751 : vector<1x1x4089xf32> to vector<4089xf32>
      %swap3A_753 = vector.shape_cast %get3A_747 : vector<4089xf32> to vector<1x1x4089xf32>
      tpu.vector_store %arg4[%swap3A_748, %swap3A_749, %swap3A_750], %swap3A_753 {strides = array<i32>} : memref<12x8x4096xf32, #tpu.memory_space<vmem>>, vector<1x1x4089xf32>,
      %get3A_754 = arith.constant 9 : index
      %get3A_755 = arith.constant 0 : index
      %get3A_756 = vector.load %arg2[%get3A_754, %get3A_755] : memref<12x4096xf32, #tpu.memory_space<vmem>>, vector<1x4096xf32>
      %get3A_757 = vector.shape_cast %get3A_756 : vector<1x4096xf32> to vector<4096xf32>
      %swap3A_758 = arith.constant 9 : index
      %swap3A_759 = arith.constant 0 : index
      %swap3A_760 = arith.constant 0 : index
      %swap3A_761 = vector.load %arg4[%swap3A_758, %swap3A_759, %swap3A_760] : memref<12x8x4096xf32, #tpu.memory_space<vmem>>, vector<1x1x4096xf32>
      %swap3A_762 = vector.shape_cast %swap3A_761 : vector<1x1x4096xf32> to vector<4096xf32>
      %swap3A_763 = vector.shape_cast %get3A_757 : vector<4096xf32> to vector<1x1x4096xf32>
      tpu.vector_store %arg4[%swap3A_758, %swap3A_759, %swap3A_760], %swap3A_763 {strides = array<i32>} : memref<12x8x4096xf32, #tpu.memory_space<vmem>>, vector<1x1x4096xf32>,
      %get3A_764 = arith.constant 9 : index
      %get3A_765 = arith.constant 0 : index
      %get3A_766 = vector.load %arg2[%get3A_764, %get3A_765] : memref<12x4096xf32, #tpu.memory_space<vmem>>, vector<1x4095xf32>
      %get3A_767 = vector.shape_cast %get3A_766 : vector<1x4095xf32> to vector<4095xf32>
      %swap3A_768 = arith.constant 9 : index
      %swap3A_769 = arith.constant 1 : index
      %swap3A_770 = arith.constant 1 : index
      %swap3A_771 = vector.load %arg4[%swap3A_768, %swap3A_769, %swap3A_770] : memref<12x8x4096xf32, #tpu.memory_space<vmem>>, vector<1x1x4095xf32>
      %swap3A_772 = vector.shape_cast %swap3A_771 : vector<1x1x4095xf32> to vector<4095xf32>
      %swap3A_773 = vector.shape_cast %get3A_767 : vector<4095xf32> to vector<1x1x4095xf32>
      tpu.vector_store %arg4[%swap3A_768, %swap3A_769, %swap3A_770], %swap3A_773 {strides = array<i32>} : memref<12x8x4096xf32, #tpu.memory_space<vmem>>, vector<1x1x4095xf32>,
      %get3A_774 = arith.constant 9 : index
      %get3A_775 = arith.constant 0 : index
      %get3A_776 = vector.load %arg2[%get3A_774, %get3A_775] : memref<12x4096xf32, #tpu.memory_space<vmem>>, vector<1x4094xf32>
      %get3A_777 = vector.shape_cast %get3A_776 : vector<1x4094xf32> to vector<4094xf32>
      %swap3A_778 = arith.constant 9 : index
      %swap3A_779 = arith.constant 2 : index
      %swap3A_780 = arith.constant 2 : index
      %swap3A_781 = vector.load %arg4[%swap3A_778, %swap3A_779, %swap3A_780] : memref<12x8x4096xf32, #tpu.memory_space<vmem>>, vector<1x1x4094xf32>
      %swap3A_782 = vector.shape_cast %swap3A_781 : vector<1x1x4094xf32> to vector<4094xf32>
      %swap3A_783 = vector.shape_cast %get3A_777 : vector<4094xf32> to vector<1x1x4094xf32>
      tpu.vector_store %arg4[%swap3A_778, %swap3A_779, %swap3A_780], %swap3A_783 {strides = array<i32>} : memref<12x8x4096xf32, #tpu.memory_space<vmem>>, vector<1x1x4094xf32>,
      %get3A_784 = arith.constant 9 : index
      %get3A_785 = arith.constant 0 : index
      %get3A_786 = vector.load %arg2[%get3A_784, %get3A_785] : memref<12x4096xf32, #tpu.memory_space<vmem>>, vector<1x4093xf32>
      %get3A_787 = vector.shape_cast %get3A_786 : vector<1x4093xf32> to vector<4093xf32>
      %swap3A_788 = arith.constant 9 : index
      %swap3A_789 = arith.constant 3 : index
      %swap3A_790 = arith.constant 3 : index
      %swap3A_791 = vector.load %arg4[%swap3A_788, %swap3A_789, %swap3A_790] : memref<12x8x4096xf32, #tpu.memory_space<vmem>>, vector<1x1x4093xf32>
      %swap3A_792 = vector.shape_cast %swap3A_791 : vector<1x1x4093xf32> to vector<4093xf32>
      %swap3A_793 = vector.shape_cast %get3A_787 : vector<4093xf32> to vector<1x1x4093xf32>
      tpu.vector_store %arg4[%swap3A_788, %swap3A_789, %swap3A_790], %swap3A_793 {strides = array<i32>} : memref<12x8x4096xf32, #tpu.memory_space<vmem>>, vector<1x1x4093xf32>,
      %get3A_794 = arith.constant 9 : index
      %get3A_795 = arith.constant 0 : index
      %get3A_796 = vector.load %arg2[%get3A_794, %get3A_795] : memref<12x4096xf32, #tpu.memory_space<vmem>>, vector<1x4092xf32>
      %get3A_797 = vector.shape_cast %get3A_796 : vector<1x4092xf32> to vector<4092xf32>
      %swap3A_798 = arith.constant 9 : index
      %swap3A_799 = arith.constant 4 : index
      %swap3A_800 = arith.constant 4 : index
      %swap3A_801 = vector.load %arg4[%swap3A_798, %swap3A_799, %swap3A_800] : memref<12x8x4096xf32, #tpu.memory_space<vmem>>, vector<1x1x4092xf32>
      %swap3A_802 = vector.shape_cast %swap3A_801 : vector<1x1x4092xf32> to vector<4092xf32>
      %swap3A_803 = vector.shape_cast %get3A_797 : vector<4092xf32> to vector<1x1x4092xf32>
      tpu.vector_store %arg4[%swap3A_798, %swap3A_799, %swap3A_800], %swap3A_803 {strides = array<i32>} : memref<12x8x4096xf32, #tpu.memory_space<vmem>>, vector<1x1x4092xf32>,
      %get3A_804 = arith.constant 9 : index
      %get3A_805 = arith.constant 0 : index
      %get3A_806 = vector.load %arg2[%get3A_804, %get3A_805] : memref<12x4096xf32, #tpu.memory_space<vmem>>, vector<1x4091xf32>
      %get3A_807 = vector.shape_cast %get3A_806 : vector<1x4091xf32> to vector<4091xf32>
      %swap3A_808 = arith.constant 9 : index
      %swap3A_809 = arith.constant 5 : index
      %swap3A_810 = arith.constant 5 : index
      %swap3A_811 = vector.load %arg4[%swap3A_808, %swap3A_809, %swap3A_810] : memref<12x8x4096xf32, #tpu.memory_space<vmem>>, vector<1x1x4091xf32>
      %swap3A_812 = vector.shape_cast %swap3A_811 : vector<1x1x4091xf32> to vector<4091xf32>
      %swap3A_813 = vector.shape_cast %get3A_807 : vector<4091xf32> to vector<1x1x4091xf32>
      tpu.vector_store %arg4[%swap3A_808, %swap3A_809, %swap3A_810], %swap3A_813 {strides = array<i32>} : memref<12x8x4096xf32, #tpu.memory_space<vmem>>, vector<1x1x4091xf32>,
      %get3A_814 = arith.constant 9 : index
      %get3A_815 = arith.constant 0 : index
      %get3A_816 = vector.load %arg2[%get3A_814, %get3A_815] : memref<12x4096xf32, #tpu.memory_space<vmem>>, vector<1x4090xf32>
      %get3A_817 = vector.shape_cast %get3A_816 : vector<1x4090xf32> to vector<4090xf32>
      %swap3A_818 = arith.constant 9 : index
      %swap3A_819 = arith.constant 6 : index
      %swap3A_820 = arith.constant 6 : index
      %swap3A_821 = vector.load %arg4[%swap3A_818, %swap3A_819, %swap3A_820] : memref<12x8x4096xf32, #tpu.memory_space<vmem>>, vector<1x1x4090xf32>
      %swap3A_822 = vector.shape_cast %swap3A_821 : vector<1x1x4090xf32> to vector<4090xf32>
      %swap3A_823 = vector.shape_cast %get3A_817 : vector<4090xf32> to vector<1x1x4090xf32>
      tpu.vector_store %arg4[%swap3A_818, %swap3A_819, %swap3A_820], %swap3A_823 {strides = array<i32>} : memref<12x8x4096xf32, #tpu.memory_space<vmem>>, vector<1x1x4090xf32>,
      %get3A_824 = arith.constant 9 : index
      %get3A_825 = arith.constant 0 : index
      %get3A_826 = vector.load %arg2[%get3A_824, %get3A_825] : memref<12x4096xf32, #tpu.memory_space<vmem>>, vector<1x4089xf32>
      %get3A_827 = vector.shape_cast %get3A_826 : vector<1x4089xf32> to vector<4089xf32>
      %swap3A_828 = arith.constant 9 : index
      %swap3A_829 = arith.constant 7 : index
      %swap3A_830 = arith.constant 7 : index
      %swap3A_831 = vector.load %arg4[%swap3A_828, %swap3A_829, %swap3A_830] : memref<12x8x4096xf32, #tpu.memory_space<vmem>>, vector<1x1x4089xf32>
      %swap3A_832 = vector.shape_cast %swap3A_831 : vector<1x1x4089xf32> to vector<4089xf32>
      %swap3A_833 = vector.shape_cast %get3A_827 : vector<4089xf32> to vector<1x1x4089xf32>
      tpu.vector_store %arg4[%swap3A_828, %swap3A_829, %swap3A_830], %swap3A_833 {strides = array<i32>} : memref<12x8x4096xf32, #tpu.memory_space<vmem>>, vector<1x1x4089xf32>,
      %get3A_834 = arith.constant 10 : index
      %get3A_835 = arith.constant 0 : index
      %get3A_836 = vector.load %arg2[%get3A_834, %get3A_835] : memref<12x4096xf32, #tpu.memory_space<vmem>>, vector<1x4096xf32>
      %get3A_837 = vector.shape_cast %get3A_836 : vector<1x4096xf32> to vector<4096xf32>
      %swap3A_838 = arith.constant 10 : index
      %swap3A_839 = arith.constant 0 : index
      %swap3A_840 = arith.constant 0 : index
      %swap3A_841 = vector.load %arg4[%swap3A_838, %swap3A_839, %swap3A_840] : memref<12x8x4096xf32, #tpu.memory_space<vmem>>, vector<1x1x4096xf32>
      %swap3A_842 = vector.shape_cast %swap3A_841 : vector<1x1x4096xf32> to vector<4096xf32>
      %swap3A_843 = vector.shape_cast %get3A_837 : vector<4096xf32> to vector<1x1x4096xf32>
      tpu.vector_store %arg4[%swap3A_838, %swap3A_839, %swap3A_840], %swap3A_843 {strides = array<i32>} : memref<12x8x4096xf32, #tpu.memory_space<vmem>>, vector<1x1x4096xf32>,
      %get3A_844 = arith.constant 10 : index
      %get3A_845 = arith.constant 0 : index
      %get3A_846 = vector.load %arg2[%get3A_844, %get3A_845] : memref<12x4096xf32, #tpu.memory_space<vmem>>, vector<1x4095xf32>
      %get3A_847 = vector.shape_cast %get3A_846 : vector<1x4095xf32> to vector<4095xf32>
      %swap3A_848 = arith.constant 10 : index
      %swap3A_849 = arith.constant 1 : index
      %swap3A_850 = arith.constant 1 : index
      %swap3A_851 = vector.load %arg4[%swap3A_848, %swap3A_849, %swap3A_850] : memref<12x8x4096xf32, #tpu.memory_space<vmem>>, vector<1x1x4095xf32>
      %swap3A_852 = vector.shape_cast %swap3A_851 : vector<1x1x4095xf32> to vector<4095xf32>
      %swap3A_853 = vector.shape_cast %get3A_847 : vector<4095xf32> to vector<1x1x4095xf32>
      tpu.vector_store %arg4[%swap3A_848, %swap3A_849, %swap3A_850], %swap3A_853 {strides = array<i32>} : memref<12x8x4096xf32, #tpu.memory_space<vmem>>, vector<1x1x4095xf32>,
      %get3A_854 = arith.constant 10 : index
      %get3A_855 = arith.constant 0 : index
      %get3A_856 = vector.load %arg2[%get3A_854, %get3A_855] : memref<12x4096xf32, #tpu.memory_space<vmem>>, vector<1x4094xf32>
      %get3A_857 = vector.shape_cast %get3A_856 : vector<1x4094xf32> to vector<4094xf32>
      %swap3A_858 = arith.constant 10 : index
      %swap3A_859 = arith.constant 2 : index
      %swap3A_860 = arith.constant 2 : index
      %swap3A_861 = vector.load %arg4[%swap3A_858, %swap3A_859, %swap3A_860] : memref<12x8x4096xf32, #tpu.memory_space<vmem>>, vector<1x1x4094xf32>
      %swap3A_862 = vector.shape_cast %swap3A_861 : vector<1x1x4094xf32> to vector<4094xf32>
      %swap3A_863 = vector.shape_cast %get3A_857 : vector<4094xf32> to vector<1x1x4094xf32>
      tpu.vector_store %arg4[%swap3A_858, %swap3A_859, %swap3A_860], %swap3A_863 {strides = array<i32>} : memref<12x8x4096xf32, #tpu.memory_space<vmem>>, vector<1x1x4094xf32>,
      %get3A_864 = arith.constant 10 : index
      %get3A_865 = arith.constant 0 : index
      %get3A_866 = vector.load %arg2[%get3A_864, %get3A_865] : memref<12x4096xf32, #tpu.memory_space<vmem>>, vector<1x4093xf32>
      %get3A_867 = vector.shape_cast %get3A_866 : vector<1x4093xf32> to vector<4093xf32>
      %swap3A_868 = arith.constant 10 : index
      %swap3A_869 = arith.constant 3 : index
      %swap3A_870 = arith.constant 3 : index
      %swap3A_871 = vector.load %arg4[%swap3A_868, %swap3A_869, %swap3A_870] : memref<12x8x4096xf32, #tpu.memory_space<vmem>>, vector<1x1x4093xf32>
      %swap3A_872 = vector.shape_cast %swap3A_871 : vector<1x1x4093xf32> to vector<4093xf32>
      %swap3A_873 = vector.shape_cast %get3A_867 : vector<4093xf32> to vector<1x1x4093xf32>
      tpu.vector_store %arg4[%swap3A_868, %swap3A_869, %swap3A_870], %swap3A_873 {strides = array<i32>} : memref<12x8x4096xf32, #tpu.memory_space<vmem>>, vector<1x1x4093xf32>,
      %get3A_874 = arith.constant 10 : index
      %get3A_875 = arith.constant 0 : index
      %get3A_876 = vector.load %arg2[%get3A_874, %get3A_875] : memref<12x4096xf32, #tpu.memory_space<vmem>>, vector<1x4092xf32>
      %get3A_877 = vector.shape_cast %get3A_876 : vector<1x4092xf32> to vector<4092xf32>
      %swap3A_878 = arith.constant 10 : index
      %swap3A_879 = arith.constant 4 : index
      %swap3A_880 = arith.constant 4 : index
      %swap3A_881 = vector.load %arg4[%swap3A_878, %swap3A_879, %swap3A_880] : memref<12x8x4096xf32, #tpu.memory_space<vmem>>, vector<1x1x4092xf32>
      %swap3A_882 = vector.shape_cast %swap3A_881 : vector<1x1x4092xf32> to vector<4092xf32>
      %swap3A_883 = vector.shape_cast %get3A_877 : vector<4092xf32> to vector<1x1x4092xf32>
      tpu.vector_store %arg4[%swap3A_878, %swap3A_879, %swap3A_880], %swap3A_883 {strides = array<i32>} : memref<12x8x4096xf32, #tpu.memory_space<vmem>>, vector<1x1x4092xf32>,
      %get3A_884 = arith.constant 10 : index
      %get3A_885 = arith.constant 0 : index
      %get3A_886 = vector.load %arg2[%get3A_884, %get3A_885] : memref<12x4096xf32, #tpu.memory_space<vmem>>, vector<1x4091xf32>
      %get3A_887 = vector.shape_cast %get3A_886 : vector<1x4091xf32> to vector<4091xf32>
      %swap3A_888 = arith.constant 10 : index
      %swap3A_889 = arith.constant 5 : index
      %swap3A_890 = arith.constant 5 : index
      %swap3A_891 = vector.load %arg4[%swap3A_888, %swap3A_889, %swap3A_890] : memref<12x8x4096xf32, #tpu.memory_space<vmem>>, vector<1x1x4091xf32>
      %swap3A_892 = vector.shape_cast %swap3A_891 : vector<1x1x4091xf32> to vector<4091xf32>
      %swap3A_893 = vector.shape_cast %get3A_887 : vector<4091xf32> to vector<1x1x4091xf32>
      tpu.vector_store %arg4[%swap3A_888, %swap3A_889, %swap3A_890], %swap3A_893 {strides = array<i32>} : memref<12x8x4096xf32, #tpu.memory_space<vmem>>, vector<1x1x4091xf32>,
      %get3A_894 = arith.constant 10 : index
      %get3A_895 = arith.constant 0 : index
      %get3A_896 = vector.load %arg2[%get3A_894, %get3A_895] : memref<12x4096xf32, #tpu.memory_space<vmem>>, vector<1x4090xf32>
      %get3A_897 = vector.shape_cast %get3A_896 : vector<1x4090xf32> to vector<4090xf32>
      %swap3A_898 = arith.constant 10 : index
      %swap3A_899 = arith.constant 6 : index
      %swap3A_900 = arith.constant 6 : index
      %swap3A_901 = vector.load %arg4[%swap3A_898, %swap3A_899, %swap3A_900] : memref<12x8x4096xf32, #tpu.memory_space<vmem>>, vector<1x1x4090xf32>
      %swap3A_902 = vector.shape_cast %swap3A_901 : vector<1x1x4090xf32> to vector<4090xf32>
      %swap3A_903 = vector.shape_cast %get3A_897 : vector<4090xf32> to vector<1x1x4090xf32>
      tpu.vector_store %arg4[%swap3A_898, %swap3A_899, %swap3A_900], %swap3A_903 {strides = array<i32>} : memref<12x8x4096xf32, #tpu.memory_space<vmem>>, vector<1x1x4090xf32>,
      %get3A_904 = arith.constant 10 : index
      %get3A_905 = arith.constant 0 : index
      %get3A_906 = vector.load %arg2[%get3A_904, %get3A_905] : memref<12x4096xf32, #tpu.memory_space<vmem>>, vector<1x4089xf32>
      %get3A_907 = vector.shape_cast %get3A_906 : vector<1x4089xf32> to vector<4089xf32>
      %swap3A_908 = arith.constant 10 : index
      %swap3A_909 = arith.constant 7 : index
      %swap3A_910 = arith.constant 7 : index
      %swap3A_911 = vector.load %arg4[%swap3A_908, %swap3A_909, %swap3A_910] : memref<12x8x4096xf32, #tpu.memory_space<vmem>>, vector<1x1x4089xf32>
      %swap3A_912 = vector.shape_cast %swap3A_911 : vector<1x1x4089xf32> to vector<4089xf32>
      %swap3A_913 = vector.shape_cast %get3A_907 : vector<4089xf32> to vector<1x1x4089xf32>
      tpu.vector_store %arg4[%swap3A_908, %swap3A_909, %swap3A_910], %swap3A_913 {strides = array<i32>} : memref<12x8x4096xf32, #tpu.memory_space<vmem>>, vector<1x1x4089xf32>,
      %get3A_914 = arith.constant 11 : index
      %get3A_915 = arith.constant 0 : index
      %get3A_916 = vector.load %arg2[%get3A_914, %get3A_915] : memref<12x4096xf32, #tpu.memory_space<vmem>>, vector<1x4096xf32>
      %get3A_917 = vector.shape_cast %get3A_916 : vector<1x4096xf32> to vector<4096xf32>
      %swap3A_918 = arith.constant 11 : index
      %swap3A_919 = arith.constant 0 : index
      %swap3A_920 = arith.constant 0 : index
      %swap3A_921 = vector.load %arg4[%swap3A_918, %swap3A_919, %swap3A_920] : memref<12x8x4096xf32, #tpu.memory_space<vmem>>, vector<1x1x4096xf32>
      %swap3A_922 = vector.shape_cast %swap3A_921 : vector<1x1x4096xf32> to vector<4096xf32>
      %swap3A_923 = vector.shape_cast %get3A_917 : vector<4096xf32> to vector<1x1x4096xf32>
      tpu.vector_store %arg4[%swap3A_918, %swap3A_919, %swap3A_920], %swap3A_923 {strides = array<i32>} : memref<12x8x4096xf32, #tpu.memory_space<vmem>>, vector<1x1x4096xf32>,
      %get3A_924 = arith.constant 11 : index
      %get3A_925 = arith.constant 0 : index
      %get3A_926 = vector.load %arg2[%get3A_924, %get3A_925] : memref<12x4096xf32, #tpu.memory_space<vmem>>, vector<1x4095xf32>
      %get3A_927 = vector.shape_cast %get3A_926 : vector<1x4095xf32> to vector<4095xf32>
      %swap3A_928 = arith.constant 11 : index
      %swap3A_929 = arith.constant 1 : index
      %swap3A_930 = arith.constant 1 : index
      %swap3A_931 = vector.load %arg4[%swap3A_928, %swap3A_929, %swap3A_930] : memref<12x8x4096xf32, #tpu.memory_space<vmem>>, vector<1x1x4095xf32>
      %swap3A_932 = vector.shape_cast %swap3A_931 : vector<1x1x4095xf32> to vector<4095xf32>
      %swap3A_933 = vector.shape_cast %get3A_927 : vector<4095xf32> to vector<1x1x4095xf32>
      tpu.vector_store %arg4[%swap3A_928, %swap3A_929, %swap3A_930], %swap3A_933 {strides = array<i32>} : memref<12x8x4096xf32, #tpu.memory_space<vmem>>, vector<1x1x4095xf32>,
      %get3A_934 = arith.constant 11 : index
      %get3A_935 = arith.constant 0 : index
      %get3A_936 = vector.load %arg2[%get3A_934, %get3A_935] : memref<12x4096xf32, #tpu.memory_space<vmem>>, vector<1x4094xf32>
      %get3A_937 = vector.shape_cast %get3A_936 : vector<1x4094xf32> to vector<4094xf32>
      %swap3A_938 = arith.constant 11 : index
      %swap3A_939 = arith.constant 2 : index
      %swap3A_940 = arith.constant 2 : index
      %swap3A_941 = vector.load %arg4[%swap3A_938, %swap3A_939, %swap3A_940] : memref<12x8x4096xf32, #tpu.memory_space<vmem>>, vector<1x1x4094xf32>
      %swap3A_942 = vector.shape_cast %swap3A_941 : vector<1x1x4094xf32> to vector<4094xf32>
      %swap3A_943 = vector.shape_cast %get3A_937 : vector<4094xf32> to vector<1x1x4094xf32>
      tpu.vector_store %arg4[%swap3A_938, %swap3A_939, %swap3A_940], %swap3A_943 {strides = array<i32>} : memref<12x8x4096xf32, #tpu.memory_space<vmem>>, vector<1x1x4094xf32>,
      %get3A_944 = arith.constant 11 : index
      %get3A_945 = arith.constant 0 : index
      %get3A_946 = vector.load %arg2[%get3A_944, %get3A_945] : memref<12x4096xf32, #tpu.memory_space<vmem>>, vector<1x4093xf32>
      %get3A_947 = vector.shape_cast %get3A_946 : vector<1x4093xf32> to vector<4093xf32>
      %swap3A_948 = arith.constant 11 : index
      %swap3A_949 = arith.constant 3 : index
      %swap3A_950 = arith.constant 3 : index
      %swap3A_951 = vector.load %arg4[%swap3A_948, %swap3A_949, %swap3A_950] : memref<12x8x4096xf32, #tpu.memory_space<vmem>>, vector<1x1x4093xf32>
      %swap3A_952 = vector.shape_cast %swap3A_951 : vector<1x1x4093xf32> to vector<4093xf32>
      %swap3A_953 = vector.shape_cast %get3A_947 : vector<4093xf32> to vector<1x1x4093xf32>
      tpu.vector_store %arg4[%swap3A_948, %swap3A_949, %swap3A_950], %swap3A_953 {strides = array<i32>} : memref<12x8x4096xf32, #tpu.memory_space<vmem>>, vector<1x1x4093xf32>,
      %get3A_954 = arith.constant 11 : index
      %get3A_955 = arith.constant 0 : index
      %get3A_956 = vector.load %arg2[%get3A_954, %get3A_955] : memref<12x4096xf32, #tpu.memory_space<vmem>>, vector<1x4092xf32>
      %get3A_957 = vector.shape_cast %get3A_956 : vector<1x4092xf32> to vector<4092xf32>
      %swap3A_958 = arith.constant 11 : index
      %swap3A_959 = arith.constant 4 : index
      %swap3A_960 = arith.constant 4 : index
      %swap3A_961 = vector.load %arg4[%swap3A_958, %swap3A_959, %swap3A_960] : memref<12x8x4096xf32, #tpu.memory_space<vmem>>, vector<1x1x4092xf32>
      %swap3A_962 = vector.shape_cast %swap3A_961 : vector<1x1x4092xf32> to vector<4092xf32>
      %swap3A_963 = vector.shape_cast %get3A_957 : vector<4092xf32> to vector<1x1x4092xf32>
      tpu.vector_store %arg4[%swap3A_958, %swap3A_959, %swap3A_960], %swap3A_963 {strides = array<i32>} : memref<12x8x4096xf32, #tpu.memory_space<vmem>>, vector<1x1x4092xf32>,
      %get3A_964 = arith.constant 11 : index
      %get3A_965 = arith.constant 0 : index
      %get3A_966 = vector.load %arg2[%get3A_964, %get3A_965] : memref<12x4096xf32, #tpu.memory_space<vmem>>, vector<1x4091xf32>
      %get3A_967 = vector.shape_cast %get3A_966 : vector<1x4091xf32> to vector<4091xf32>
      %swap3A_968 = arith.constant 11 : index
      %swap3A_969 = arith.constant 5 : index
      %swap3A_970 = arith.constant 5 : index
      %swap3A_971 = vector.load %arg4[%swap3A_968, %swap3A_969, %swap3A_970] : memref<12x8x4096xf32, #tpu.memory_space<vmem>>, vector<1x1x4091xf32>
      %swap3A_972 = vector.shape_cast %swap3A_971 : vector<1x1x4091xf32> to vector<4091xf32>
      %swap3A_973 = vector.shape_cast %get3A_967 : vector<4091xf32> to vector<1x1x4091xf32>
      tpu.vector_store %arg4[%swap3A_968, %swap3A_969, %swap3A_970], %swap3A_973 {strides = array<i32>} : memref<12x8x4096xf32, #tpu.memory_space<vmem>>, vector<1x1x4091xf32>,
      %get3A_974 = arith.constant 11 : index
      %get3A_975 = arith.constant 0 : index
      %get3A_976 = vector.load %arg2[%get3A_974, %get3A_975] : memref<12x4096xf32, #tpu.memory_space<vmem>>, vector<1x4090xf32>
      %get3A_977 = vector.shape_cast %get3A_976 : vector<1x4090xf32> to vector<4090xf32>
      %swap3A_978 = arith.constant 11 : index
      %swap3A_979 = arith.constant 6 : index
      %swap3A_980 = arith.constant 6 : index
      %swap3A_981 = vector.load %arg4[%swap3A_978, %swap3A_979, %swap3A_980] : memref<12x8x4096xf32, #tpu.memory_space<vmem>>, vector<1x1x4090xf32>
      %swap3A_982 = vector.shape_cast %swap3A_981 : vector<1x1x4090xf32> to vector<4090xf32>
      %swap3A_983 = vector.shape_cast %get3A_977 : vector<4090xf32> to vector<1x1x4090xf32>
      tpu.vector_store %arg4[%swap3A_978, %swap3A_979, %swap3A_980], %swap3A_983 {strides = array<i32>} : memref<12x8x4096xf32, #tpu.memory_space<vmem>>, vector<1x1x4090xf32>,
      %get3A_984 = arith.constant 11 : index
      %get3A_985 = arith.constant 0 : index
      %get3A_986 = vector.load %arg2[%get3A_984, %get3A_985] : memref<12x4096xf32, #tpu.memory_space<vmem>>, vector<1x4089xf32>
      %get3A_987 = vector.shape_cast %get3A_986 : vector<1x4089xf32> to vector<4089xf32>
      %swap3A_988 = arith.constant 11 : index
      %swap3A_989 = arith.constant 7 : index
      %swap3A_990 = arith.constant 7 : index
      %swap3A_991 = vector.load %arg4[%swap3A_988, %swap3A_989, %swap3A_990] : memref<12x8x4096xf32, #tpu.memory_space<vmem>>, vector<1x1x4089xf32>
      %swap3A_992 = vector.shape_cast %swap3A_991 : vector<1x1x4089xf32> to vector<4089xf32>
      %swap3A_993 = vector.shape_cast %get3A_987 : vector<4089xf32> to vector<1x1x4089xf32>
      tpu.vector_store %arg4[%swap3A_988, %swap3A_989, %swap3A_990], %swap3A_993 {strides = array<i32>} : memref<12x8x4096xf32, #tpu.memory_space<vmem>>, vector<1x1x4089xf32>,
    } else {
    }
    %eq3A_9 = arith.constant 0 : i32
    %eq3A_10 = arith.cmpi eq, %arg1, %eq3A_9 : i32
    %convert_element_type3A_11 = arith.extui %eq3A_10 : i1 to i32
    %cond3A_12 = arith.constant 0 : i32
    %cond3A_13 = arith.cmpi ne, %convert_element_type3A_11, %cond3A_12 : i32
    scf.if %cond3A_13 {
      %get3A = arith.index_cast %arg0 : i32 to index
      %get3A_36 = arith.constant 0 : index
      %get3A_37 = arith.constant 255 : index
      %get3A_38 = vector.load %arg4[%get3A, %get3A_36, %get3A_37] : memref<12x8x4096xf32, #tpu.memory_space<vmem>>, vector<1x8x3840xf32>
      %get3A_39 = vector.shape_cast %get3A_38 : vector<1x8x3840xf32> to vector<8x3840xf32>
      %swap3A = arith.index_cast %rem3A_0 : i32 to index
      %swap3A_40 = arith.constant 0 : index
      %swap3A_41 = arith.constant 0 : index
      %swap3A_42 = vector.load %arg5[%swap3A, %swap3A_40, %swap3A_41] : memref<3x256x3840xf32, #tpu.memory_space<vmem>>, vector<1x8x3840xf32>
      %swap3A_43 = vector.shape_cast %swap3A_42 : vector<1x8x3840xf32> to vector<8x3840xf32>
      %swap3A_44 = vector.shape_cast %get3A_39 : vector<8x3840xf32> to vector<1x8x3840xf32>
      tpu.vector_store %arg5[%swap3A, %swap3A_40, %swap3A_41], %swap3A_44 {strides = array<i32>} : memref<3x256x3840xf32, #tpu.memory_space<vmem>>, vector<1x8x3840xf32>,
      %get3A_45 = arith.index_cast %arg0 : i32 to index
      %get3A_46 = arith.constant 0 : index
      %get3A_47 = arith.constant 247 : index
      %get3A_48 = vector.load %arg4[%get3A_45, %get3A_46, %get3A_47] : memref<12x8x4096xf32, #tpu.memory_space<vmem>>, vector<1x8x3840xf32>
      %get3A_49 = vector.shape_cast %get3A_48 : vector<1x8x3840xf32> to vector<8x3840xf32>
      %swap3A_50 = arith.index_cast %rem3A_0 : i32 to index
      %swap3A_51 = arith.constant 8 : index
      %swap3A_52 = arith.constant 0 : index
      %swap3A_53 = vector.load %arg5[%swap3A_50, %swap3A_51, %swap3A_52] : memref<3x256x3840xf32, #tpu.memory_space<vmem>>, vector<1x8x3840xf32>
      %swap3A_54 = vector.shape_cast %swap3A_53 : vector<1x8x3840xf32> to vector<8x3840xf32>
      %swap3A_55 = vector.shape_cast %get3A_49 : vector<8x3840xf32> to vector<1x8x3840xf32>
      tpu.vector_store %arg5[%swap3A_50, %swap3A_51, %swap3A_52], %swap3A_55 {strides = array<i32>} : memref<3x256x3840xf32, #tpu.memory_space<vmem>>, vector<1x8x3840xf32>,
      %get3A_56 = arith.index_cast %arg0 : i32 to index
      %get3A_57 = arith.constant 0 : index
      %get3A_58 = arith.constant 239 : index
      %get3A_59 = vector.load %arg4[%get3A_56, %get3A_57, %get3A_58] : memref<12x8x4096xf32, #tpu.memory_space<vmem>>, vector<1x8x3840xf32>
      %get3A_60 = vector.shape_cast %get3A_59 : vector<1x8x3840xf32> to vector<8x3840xf32>
      %swap3A_61 = arith.index_cast %rem3A_0 : i32 to index
      %swap3A_62 = arith.constant 16 : index
      %swap3A_63 = arith.constant 0 : index
      %swap3A_64 = vector.load %arg5[%swap3A_61, %swap3A_62, %swap3A_63] : memref<3x256x3840xf32, #tpu.memory_space<vmem>>, vector<1x8x3840xf32>
      %swap3A_65 = vector.shape_cast %swap3A_64 : vector<1x8x3840xf32> to vector<8x3840xf32>
      %swap3A_66 = vector.shape_cast %get3A_60 : vector<8x3840xf32> to vector<1x8x3840xf32>
      tpu.vector_store %arg5[%swap3A_61, %swap3A_62, %swap3A_63], %swap3A_66 {strides = array<i32>} : memref<3x256x3840xf32, #tpu.memory_space<vmem>>, vector<1x8x3840xf32>,
      %get3A_67 = arith.index_cast %arg0 : i32 to index
      %get3A_68 = arith.constant 0 : index
      %get3A_69 = arith.constant 231 : index
      %get3A_70 = vector.load %arg4[%get3A_67, %get3A_68, %get3A_69] : memref<12x8x4096xf32, #tpu.memory_space<vmem>>, vector<1x8x3840xf32>
      %get3A_71 = vector.shape_cast %get3A_70 : vector<1x8x3840xf32> to vector<8x3840xf32>
      %swap3A_72 = arith.index_cast %rem3A_0 : i32 to index
      %swap3A_73 = arith.constant 24 : index
      %swap3A_74 = arith.constant 0 : index
      %swap3A_75 = vector.load %arg5[%swap3A_72, %swap3A_73, %swap3A_74] : memref<3x256x3840xf32, #tpu.memory_space<vmem>>, vector<1x8x3840xf32>
      %swap3A_76 = vector.shape_cast %swap3A_75 : vector<1x8x3840xf32> to vector<8x3840xf32>
      %swap3A_77 = vector.shape_cast %get3A_71 : vector<8x3840xf32> to vector<1x8x3840xf32>
      tpu.vector_store %arg5[%swap3A_72, %swap3A_73, %swap3A_74], %swap3A_77 {strides = array<i32>} : memref<3x256x3840xf32, #tpu.memory_space<vmem>>, vector<1x8x3840xf32>,
      %get3A_78 = arith.index_cast %arg0 : i32 to index
      %get3A_79 = arith.constant 0 : index
      %get3A_80 = arith.constant 223 : index
      %get3A_81 = vector.load %arg4[%get3A_78, %get3A_79, %get3A_80] : memref<12x8x4096xf32, #tpu.memory_space<vmem>>, vector<1x8x3840xf32>
      %get3A_82 = vector.shape_cast %get3A_81 : vector<1x8x3840xf32> to vector<8x3840xf32>
      %swap3A_83 = arith.index_cast %rem3A_0 : i32 to index
      %swap3A_84 = arith.constant 32 : index
      %swap3A_85 = arith.constant 0 : index
      %swap3A_86 = vector.load %arg5[%swap3A_83, %swap3A_84, %swap3A_85] : memref<3x256x3840xf32, #tpu.memory_space<vmem>>, vector<1x8x3840xf32>
      %swap3A_87 = vector.shape_cast %swap3A_86 : vector<1x8x3840xf32> to vector<8x3840xf32>
      %swap3A_88 = vector.shape_cast %get3A_82 : vector<8x3840xf32> to vector<1x8x3840xf32>
      tpu.vector_store %arg5[%swap3A_83, %swap3A_84, %swap3A_85], %swap3A_88 {strides = array<i32>} : memref<3x256x3840xf32, #tpu.memory_space<vmem>>, vector<1x8x3840xf32>,
      %get3A_89 = arith.index_cast %arg0 : i32 to index
      %get3A_90 = arith.constant 0 : index
      %get3A_91 = arith.constant 215 : index
      %get3A_92 = vector.load %arg4[%get3A_89, %get3A_90, %get3A_91] : memref<12x8x4096xf32, #tpu.memory_space<vmem>>, vector<1x8x3840xf32>
      %get3A_93 = vector.shape_cast %get3A_92 : vector<1x8x3840xf32> to vector<8x3840xf32>
      %swap3A_94 = arith.index_cast %rem3A_0 : i32 to index
      %swap3A_95 = arith.constant 40 : index
      %swap3A_96 = arith.constant 0 : index
      %swap3A_97 = vector.load %arg5[%swap3A_94, %swap3A_95, %swap3A_96] : memref<3x256x3840xf32, #tpu.memory_space<vmem>>, vector<1x8x3840xf32>
      %swap3A_98 = vector.shape_cast %swap3A_97 : vector<1x8x3840xf32> to vector<8x3840xf32>
      %swap3A_99 = vector.shape_cast %get3A_93 : vector<8x3840xf32> to vector<1x8x3840xf32>
      tpu.vector_store %arg5[%swap3A_94, %swap3A_95, %swap3A_96], %swap3A_99 {strides = array<i32>} : memref<3x256x3840xf32, #tpu.memory_space<vmem>>, vector<1x8x3840xf32>,
      %get3A_100 = arith.index_cast %arg0 : i32 to index
      %get3A_101 = arith.constant 0 : index
      %get3A_102 = arith.constant 207 : index
      %get3A_103 = vector.load %arg4[%get3A_100, %get3A_101, %get3A_102] : memref<12x8x4096xf32, #tpu.memory_space<vmem>>, vector<1x8x3840xf32>
      %get3A_104 = vector.shape_cast %get3A_103 : vector<1x8x3840xf32> to vector<8x3840xf32>
      %swap3A_105 = arith.index_cast %rem3A_0 : i32 to index
      %swap3A_106 = arith.constant 48 : index
      %swap3A_107 = arith.constant 0 : index
      %swap3A_108 = vector.load %arg5[%swap3A_105, %swap3A_106, %swap3A_107] : memref<3x256x3840xf32, #tpu.memory_space<vmem>>, vector<1x8x3840xf32>
      %swap3A_109 = vector.shape_cast %swap3A_108 : vector<1x8x3840xf32> to vector<8x3840xf32>
      %swap3A_110 = vector.shape_cast %get3A_104 : vector<8x3840xf32> to vector<1x8x3840xf32>
      tpu.vector_store %arg5[%swap3A_105, %swap3A_106, %swap3A_107], %swap3A_110 {strides = array<i32>} : memref<3x256x3840xf32, #tpu.memory_space<vmem>>, vector<1x8x3840xf32>,
      %get3A_111 = arith.index_cast %arg0 : i32 to index
      %get3A_112 = arith.constant 0 : index
      %get3A_113 = arith.constant 199 : index
      %get3A_114 = vector.load %arg4[%get3A_111, %get3A_112, %get3A_113] : memref<12x8x4096xf32, #tpu.memory_space<vmem>>, vector<1x8x3840xf32>
      %get3A_115 = vector.shape_cast %get3A_114 : vector<1x8x3840xf32> to vector<8x3840xf32>
      %swap3A_116 = arith.index_cast %rem3A_0 : i32 to index
      %swap3A_117 = arith.constant 56 : index
      %swap3A_118 = arith.constant 0 : index
      %swap3A_119 = vector.load %arg5[%swap3A_116, %swap3A_117, %swap3A_118] : memref<3x256x3840xf32, #tpu.memory_space<vmem>>, vector<1x8x3840xf32>
      %swap3A_120 = vector.shape_cast %swap3A_119 : vector<1x8x3840xf32> to vector<8x3840xf32>
      %swap3A_121 = vector.shape_cast %get3A_115 : vector<8x3840xf32> to vector<1x8x3840xf32>
      tpu.vector_store %arg5[%swap3A_116, %swap3A_117, %swap3A_118], %swap3A_121 {strides = array<i32>} : memref<3x256x3840xf32, #tpu.memory_space<vmem>>, vector<1x8x3840xf32>,
      %get3A_122 = arith.index_cast %arg0 : i32 to index
      %get3A_123 = arith.constant 0 : index
      %get3A_124 = arith.constant 191 : index
      %get3A_125 = vector.load %arg4[%get3A_122, %get3A_123, %get3A_124] : memref<12x8x4096xf32, #tpu.memory_space<vmem>>, vector<1x8x3840xf32>
      %get3A_126 = vector.shape_cast %get3A_125 : vector<1x8x3840xf32> to vector<8x3840xf32>
      %swap3A_127 = arith.index_cast %rem3A_0 : i32 to index
      %swap3A_128 = arith.constant 64 : index
      %swap3A_129 = arith.constant 0 : index
      %swap3A_130 = vector.load %arg5[%swap3A_127, %swap3A_128, %swap3A_129] : memref<3x256x3840xf32, #tpu.memory_space<vmem>>, vector<1x8x3840xf32>
      %swap3A_131 = vector.shape_cast %swap3A_130 : vector<1x8x3840xf32> to vector<8x3840xf32>
      %swap3A_132 = vector.shape_cast %get3A_126 : vector<8x3840xf32> to vector<1x8x3840xf32>
      tpu.vector_store %arg5[%swap3A_127, %swap3A_128, %swap3A_129], %swap3A_132 {strides = array<i32>} : memref<3x256x3840xf32, #tpu.memory_space<vmem>>, vector<1x8x3840xf32>,
      %get3A_133 = arith.index_cast %arg0 : i32 to index
      %get3A_134 = arith.constant 0 : index
      %get3A_135 = arith.constant 183 : index
      %get3A_136 = vector.load %arg4[%get3A_133, %get3A_134, %get3A_135] : memref<12x8x4096xf32, #tpu.memory_space<vmem>>, vector<1x8x3840xf32>
      %get3A_137 = vector.shape_cast %get3A_136 : vector<1x8x3840xf32> to vector<8x3840xf32>
      %swap3A_138 = arith.index_cast %rem3A_0 : i32 to index
      %swap3A_139 = arith.constant 72 : index
      %swap3A_140 = arith.constant 0 : index
      %swap3A_141 = vector.load %arg5[%swap3A_138, %swap3A_139, %swap3A_140] : memref<3x256x3840xf32, #tpu.memory_space<vmem>>, vector<1x8x3840xf32>
      %swap3A_142 = vector.shape_cast %swap3A_141 : vector<1x8x3840xf32> to vector<8x3840xf32>
      %swap3A_143 = vector.shape_cast %get3A_137 : vector<8x3840xf32> to vector<1x8x3840xf32>
      tpu.vector_store %arg5[%swap3A_138, %swap3A_139, %swap3A_140], %swap3A_143 {strides = array<i32>} : memref<3x256x3840xf32, #tpu.memory_space<vmem>>, vector<1x8x3840xf32>,
      %get3A_144 = arith.index_cast %arg0 : i32 to index
      %get3A_145 = arith.constant 0 : index
      %get3A_146 = arith.constant 175 : index
      %get3A_147 = vector.load %arg4[%get3A_144, %get3A_145, %get3A_146] : memref<12x8x4096xf32, #tpu.memory_space<vmem>>, vector<1x8x3840xf32>
      %get3A_148 = vector.shape_cast %get3A_147 : vector<1x8x3840xf32> to vector<8x3840xf32>
      %swap3A_149 = arith.index_cast %rem3A_0 : i32 to index
      %swap3A_150 = arith.constant 80 : index
      %swap3A_151 = arith.constant 0 : index
      %swap3A_152 = vector.load %arg5[%swap3A_149, %swap3A_150, %swap3A_151] : memref<3x256x3840xf32, #tpu.memory_space<vmem>>, vector<1x8x3840xf32>
      %swap3A_153 = vector.shape_cast %swap3A_152 : vector<1x8x3840xf32> to vector<8x3840xf32>
      %swap3A_154 = vector.shape_cast %get3A_148 : vector<8x3840xf32> to vector<1x8x3840xf32>
      tpu.vector_store %arg5[%swap3A_149, %swap3A_150, %swap3A_151], %swap3A_154 {strides = array<i32>} : memref<3x256x3840xf32, #tpu.memory_space<vmem>>, vector<1x8x3840xf32>,
      %get3A_155 = arith.index_cast %arg0 : i32 to index
      %get3A_156 = arith.constant 0 : index
      %get3A_157 = arith.constant 167 : index
      %get3A_158 = vector.load %arg4[%get3A_155, %get3A_156, %get3A_157] : memref<12x8x4096xf32, #tpu.memory_space<vmem>>, vector<1x8x3840xf32>
      %get3A_159 = vector.shape_cast %get3A_158 : vector<1x8x3840xf32> to vector<8x3840xf32>
      %swap3A_160 = arith.index_cast %rem3A_0 : i32 to index
      %swap3A_161 = arith.constant 88 : index
      %swap3A_162 = arith.constant 0 : index
      %swap3A_163 = vector.load %arg5[%swap3A_160, %swap3A_161, %swap3A_162] : memref<3x256x3840xf32, #tpu.memory_space<vmem>>, vector<1x8x3840xf32>
      %swap3A_164 = vector.shape_cast %swap3A_163 : vector<1x8x3840xf32> to vector<8x3840xf32>
      %swap3A_165 = vector.shape_cast %get3A_159 : vector<8x3840xf32> to vector<1x8x3840xf32>
      tpu.vector_store %arg5[%swap3A_160, %swap3A_161, %swap3A_162], %swap3A_165 {strides = array<i32>} : memref<3x256x3840xf32, #tpu.memory_space<vmem>>, vector<1x8x3840xf32>,
      %get3A_166 = arith.index_cast %arg0 : i32 to index
      %get3A_167 = arith.constant 0 : index
      %get3A_168 = arith.constant 159 : index
      %get3A_169 = vector.load %arg4[%get3A_166, %get3A_167, %get3A_168] : memref<12x8x4096xf32, #tpu.memory_space<vmem>>, vector<1x8x3840xf32>
      %get3A_170 = vector.shape_cast %get3A_169 : vector<1x8x3840xf32> to vector<8x3840xf32>
      %swap3A_171 = arith.index_cast %rem3A_0 : i32 to index
      %swap3A_172 = arith.constant 96 : index
      %swap3A_173 = arith.constant 0 : index
      %swap3A_174 = vector.load %arg5[%swap3A_171, %swap3A_172, %swap3A_173] : memref<3x256x3840xf32, #tpu.memory_space<vmem>>, vector<1x8x3840xf32>
      %swap3A_175 = vector.shape_cast %swap3A_174 : vector<1x8x3840xf32> to vector<8x3840xf32>
      %swap3A_176 = vector.shape_cast %get3A_170 : vector<8x3840xf32> to vector<1x8x3840xf32>
      tpu.vector_store %arg5[%swap3A_171, %swap3A_172, %swap3A_173], %swap3A_176 {strides = array<i32>} : memref<3x256x3840xf32, #tpu.memory_space<vmem>>, vector<1x8x3840xf32>,
      %get3A_177 = arith.index_cast %arg0 : i32 to index
      %get3A_178 = arith.constant 0 : index
      %get3A_179 = arith.constant 151 : index
      %get3A_180 = vector.load %arg4[%get3A_177, %get3A_178, %get3A_179] : memref<12x8x4096xf32, #tpu.memory_space<vmem>>, vector<1x8x3840xf32>
      %get3A_181 = vector.shape_cast %get3A_180 : vector<1x8x3840xf32> to vector<8x3840xf32>
      %swap3A_182 = arith.index_cast %rem3A_0 : i32 to index
      %swap3A_183 = arith.constant 104 : index
      %swap3A_184 = arith.constant 0 : index
      %swap3A_185 = vector.load %arg5[%swap3A_182, %swap3A_183, %swap3A_184] : memref<3x256x3840xf32, #tpu.memory_space<vmem>>, vector<1x8x3840xf32>
      %swap3A_186 = vector.shape_cast %swap3A_185 : vector<1x8x3840xf32> to vector<8x3840xf32>
      %swap3A_187 = vector.shape_cast %get3A_181 : vector<8x3840xf32> to vector<1x8x3840xf32>
      tpu.vector_store %arg5[%swap3A_182, %swap3A_183, %swap3A_184], %swap3A_187 {strides = array<i32>} : memref<3x256x3840xf32, #tpu.memory_space<vmem>>, vector<1x8x3840xf32>,
      %get3A_188 = arith.index_cast %arg0 : i32 to index
      %get3A_189 = arith.constant 0 : index
      %get3A_190 = arith.constant 143 : index
      %get3A_191 = vector.load %arg4[%get3A_188, %get3A_189, %get3A_190] : memref<12x8x4096xf32, #tpu.memory_space<vmem>>, vector<1x8x3840xf32>
      %get3A_192 = vector.shape_cast %get3A_191 : vector<1x8x3840xf32> to vector<8x3840xf32>
      %swap3A_193 = arith.index_cast %rem3A_0 : i32 to index
      %swap3A_194 = arith.constant 112 : index
      %swap3A_195 = arith.constant 0 : index
      %swap3A_196 = vector.load %arg5[%swap3A_193, %swap3A_194, %swap3A_195] : memref<3x256x3840xf32, #tpu.memory_space<vmem>>, vector<1x8x3840xf32>
      %swap3A_197 = vector.shape_cast %swap3A_196 : vector<1x8x3840xf32> to vector<8x3840xf32>
      %swap3A_198 = vector.shape_cast %get3A_192 : vector<8x3840xf32> to vector<1x8x3840xf32>
      tpu.vector_store %arg5[%swap3A_193, %swap3A_194, %swap3A_195], %swap3A_198 {strides = array<i32>} : memref<3x256x3840xf32, #tpu.memory_space<vmem>>, vector<1x8x3840xf32>,
      %get3A_199 = arith.index_cast %arg0 : i32 to index
      %get3A_200 = arith.constant 0 : index
      %get3A_201 = arith.constant 135 : index
      %get3A_202 = vector.load %arg4[%get3A_199, %get3A_200, %get3A_201] : memref<12x8x4096xf32, #tpu.memory_space<vmem>>, vector<1x8x3840xf32>
      %get3A_203 = vector.shape_cast %get3A_202 : vector<1x8x3840xf32> to vector<8x3840xf32>
      %swap3A_204 = arith.index_cast %rem3A_0 : i32 to index
      %swap3A_205 = arith.constant 120 : index
      %swap3A_206 = arith.constant 0 : index
      %swap3A_207 = vector.load %arg5[%swap3A_204, %swap3A_205, %swap3A_206] : memref<3x256x3840xf32, #tpu.memory_space<vmem>>, vector<1x8x3840xf32>
      %swap3A_208 = vector.shape_cast %swap3A_207 : vector<1x8x3840xf32> to vector<8x3840xf32>
      %swap3A_209 = vector.shape_cast %get3A_203 : vector<8x3840xf32> to vector<1x8x3840xf32>
      tpu.vector_store %arg5[%swap3A_204, %swap3A_205, %swap3A_206], %swap3A_209 {strides = array<i32>} : memref<3x256x3840xf32, #tpu.memory_space<vmem>>, vector<1x8x3840xf32>,
      %get3A_210 = arith.index_cast %arg0 : i32 to index
      %get3A_211 = arith.constant 0 : index
      %get3A_212 = arith.constant 127 : index
      %get3A_213 = vector.load %arg4[%get3A_210, %get3A_211, %get3A_212] : memref<12x8x4096xf32, #tpu.memory_space<vmem>>, vector<1x8x3840xf32>
      %get3A_214 = vector.shape_cast %get3A_213 : vector<1x8x3840xf32> to vector<8x3840xf32>
      %swap3A_215 = arith.index_cast %rem3A_0 : i32 to index
      %swap3A_216 = arith.constant 128 : index
      %swap3A_217 = arith.constant 0 : index
      %swap3A_218 = vector.load %arg5[%swap3A_215, %swap3A_216, %swap3A_217] : memref<3x256x3840xf32, #tpu.memory_space<vmem>>, vector<1x8x3840xf32>
      %swap3A_219 = vector.shape_cast %swap3A_218 : vector<1x8x3840xf32> to vector<8x3840xf32>
      %swap3A_220 = vector.shape_cast %get3A_214 : vector<8x3840xf32> to vector<1x8x3840xf32>
      tpu.vector_store %arg5[%swap3A_215, %swap3A_216, %swap3A_217], %swap3A_220 {strides = array<i32>} : memref<3x256x3840xf32, #tpu.memory_space<vmem>>, vector<1x8x3840xf32>,
      %get3A_221 = arith.index_cast %arg0 : i32 to index
      %get3A_222 = arith.constant 0 : index
      %get3A_223 = arith.constant 119 : index
      %get3A_224 = vector.load %arg4[%get3A_221, %get3A_222, %get3A_223] : memref<12x8x4096xf32, #tpu.memory_space<vmem>>, vector<1x8x3840xf32>
      %get3A_225 = vector.shape_cast %get3A_224 : vector<1x8x3840xf32> to vector<8x3840xf32>
      %swap3A_226 = arith.index_cast %rem3A_0 : i32 to index
      %swap3A_227 = arith.constant 136 : index
      %swap3A_228 = arith.constant 0 : index
      %swap3A_229 = vector.load %arg5[%swap3A_226, %swap3A_227, %swap3A_228] : memref<3x256x3840xf32, #tpu.memory_space<vmem>>, vector<1x8x3840xf32>
      %swap3A_230 = vector.shape_cast %swap3A_229 : vector<1x8x3840xf32> to vector<8x3840xf32>
      %swap3A_231 = vector.shape_cast %get3A_225 : vector<8x3840xf32> to vector<1x8x3840xf32>
      tpu.vector_store %arg5[%swap3A_226, %swap3A_227, %swap3A_228], %swap3A_231 {strides = array<i32>} : memref<3x256x3840xf32, #tpu.memory_space<vmem>>, vector<1x8x3840xf32>,
      %get3A_232 = arith.index_cast %arg0 : i32 to index
      %get3A_233 = arith.constant 0 : index
      %get3A_234 = arith.constant 111 : index
      %get3A_235 = vector.load %arg4[%get3A_232, %get3A_233, %get3A_234] : memref<12x8x4096xf32, #tpu.memory_space<vmem>>, vector<1x8x3840xf32>
      %get3A_236 = vector.shape_cast %get3A_235 : vector<1x8x3840xf32> to vector<8x3840xf32>
      %swap3A_237 = arith.index_cast %rem3A_0 : i32 to index
      %swap3A_238 = arith.constant 144 : index
      %swap3A_239 = arith.constant 0 : index
      %swap3A_240 = vector.load %arg5[%swap3A_237, %swap3A_238, %swap3A_239] : memref<3x256x3840xf32, #tpu.memory_space<vmem>>, vector<1x8x3840xf32>
      %swap3A_241 = vector.shape_cast %swap3A_240 : vector<1x8x3840xf32> to vector<8x3840xf32>
      %swap3A_242 = vector.shape_cast %get3A_236 : vector<8x3840xf32> to vector<1x8x3840xf32>
      tpu.vector_store %arg5[%swap3A_237, %swap3A_238, %swap3A_239], %swap3A_242 {strides = array<i32>} : memref<3x256x3840xf32, #tpu.memory_space<vmem>>, vector<1x8x3840xf32>,
      %get3A_243 = arith.index_cast %arg0 : i32 to index
      %get3A_244 = arith.constant 0 : index
      %get3A_245 = arith.constant 103 : index
      %get3A_246 = vector.load %arg4[%get3A_243, %get3A_244, %get3A_245] : memref<12x8x4096xf32, #tpu.memory_space<vmem>>, vector<1x8x3840xf32>
      %get3A_247 = vector.shape_cast %get3A_246 : vector<1x8x3840xf32> to vector<8x3840xf32>
      %swap3A_248 = arith.index_cast %rem3A_0 : i32 to index
      %swap3A_249 = arith.constant 152 : index
      %swap3A_250 = arith.constant 0 : index
      %swap3A_251 = vector.load %arg5[%swap3A_248, %swap3A_249, %swap3A_250] : memref<3x256x3840xf32, #tpu.memory_space<vmem>>, vector<1x8x3840xf32>
      %swap3A_252 = vector.shape_cast %swap3A_251 : vector<1x8x3840xf32> to vector<8x3840xf32>
      %swap3A_253 = vector.shape_cast %get3A_247 : vector<8x3840xf32> to vector<1x8x3840xf32>
      tpu.vector_store %arg5[%swap3A_248, %swap3A_249, %swap3A_250], %swap3A_253 {strides = array<i32>} : memref<3x256x3840xf32, #tpu.memory_space<vmem>>, vector<1x8x3840xf32>,
      %get3A_254 = arith.index_cast %arg0 : i32 to index
      %get3A_255 = arith.constant 0 : index
      %get3A_256 = arith.constant 95 : index
      %get3A_257 = vector.load %arg4[%get3A_254, %get3A_255, %get3A_256] : memref<12x8x4096xf32, #tpu.memory_space<vmem>>, vector<1x8x3840xf32>
      %get3A_258 = vector.shape_cast %get3A_257 : vector<1x8x3840xf32> to vector<8x3840xf32>
      %swap3A_259 = arith.index_cast %rem3A_0 : i32 to index
      %swap3A_260 = arith.constant 160 : index
      %swap3A_261 = arith.constant 0 : index
      %swap3A_262 = vector.load %arg5[%swap3A_259, %swap3A_260, %swap3A_261] : memref<3x256x3840xf32, #tpu.memory_space<vmem>>, vector<1x8x3840xf32>
      %swap3A_263 = vector.shape_cast %swap3A_262 : vector<1x8x3840xf32> to vector<8x3840xf32>
      %swap3A_264 = vector.shape_cast %get3A_258 : vector<8x3840xf32> to vector<1x8x3840xf32>
      tpu.vector_store %arg5[%swap3A_259, %swap3A_260, %swap3A_261], %swap3A_264 {strides = array<i32>} : memref<3x256x3840xf32, #tpu.memory_space<vmem>>, vector<1x8x3840xf32>,
      %get3A_265 = arith.index_cast %arg0 : i32 to index
      %get3A_266 = arith.constant 0 : index
      %get3A_267 = arith.constant 87 : index
      %get3A_268 = vector.load %arg4[%get3A_265, %get3A_266, %get3A_267] : memref<12x8x4096xf32, #tpu.memory_space<vmem>>, vector<1x8x3840xf32>
      %get3A_269 = vector.shape_cast %get3A_268 : vector<1x8x3840xf32> to vector<8x3840xf32>
      %swap3A_270 = arith.index_cast %rem3A_0 : i32 to index
      %swap3A_271 = arith.constant 168 : index
      %swap3A_272 = arith.constant 0 : index
      %swap3A_273 = vector.load %arg5[%swap3A_270, %swap3A_271, %swap3A_272] : memref<3x256x3840xf32, #tpu.memory_space<vmem>>, vector<1x8x3840xf32>
      %swap3A_274 = vector.shape_cast %swap3A_273 : vector<1x8x3840xf32> to vector<8x3840xf32>
      %swap3A_275 = vector.shape_cast %get3A_269 : vector<8x3840xf32> to vector<1x8x3840xf32>
      tpu.vector_store %arg5[%swap3A_270, %swap3A_271, %swap3A_272], %swap3A_275 {strides = array<i32>} : memref<3x256x3840xf32, #tpu.memory_space<vmem>>, vector<1x8x3840xf32>,
      %get3A_276 = arith.index_cast %arg0 : i32 to index
      %get3A_277 = arith.constant 0 : index
      %get3A_278 = arith.constant 79 : index
      %get3A_279 = vector.load %arg4[%get3A_276, %get3A_277, %get3A_278] : memref<12x8x4096xf32, #tpu.memory_space<vmem>>, vector<1x8x3840xf32>
      %get3A_280 = vector.shape_cast %get3A_279 : vector<1x8x3840xf32> to vector<8x3840xf32>
      %swap3A_281 = arith.index_cast %rem3A_0 : i32 to index
      %swap3A_282 = arith.constant 176 : index
      %swap3A_283 = arith.constant 0 : index
      %swap3A_284 = vector.load %arg5[%swap3A_281, %swap3A_282, %swap3A_283] : memref<3x256x3840xf32, #tpu.memory_space<vmem>>, vector<1x8x3840xf32>
      %swap3A_285 = vector.shape_cast %swap3A_284 : vector<1x8x3840xf32> to vector<8x3840xf32>
      %swap3A_286 = vector.shape_cast %get3A_280 : vector<8x3840xf32> to vector<1x8x3840xf32>
      tpu.vector_store %arg5[%swap3A_281, %swap3A_282, %swap3A_283], %swap3A_286 {strides = array<i32>} : memref<3x256x3840xf32, #tpu.memory_space<vmem>>, vector<1x8x3840xf32>,
      %get3A_287 = arith.index_cast %arg0 : i32 to index
      %get3A_288 = arith.constant 0 : index
      %get3A_289 = arith.constant 71 : index
      %get3A_290 = vector.load %arg4[%get3A_287, %get3A_288, %get3A_289] : memref<12x8x4096xf32, #tpu.memory_space<vmem>>, vector<1x8x3840xf32>
      %get3A_291 = vector.shape_cast %get3A_290 : vector<1x8x3840xf32> to vector<8x3840xf32>
      %swap3A_292 = arith.index_cast %rem3A_0 : i32 to index
      %swap3A_293 = arith.constant 184 : index
      %swap3A_294 = arith.constant 0 : index
      %swap3A_295 = vector.load %arg5[%swap3A_292, %swap3A_293, %swap3A_294] : memref<3x256x3840xf32, #tpu.memory_space<vmem>>, vector<1x8x3840xf32>
      %swap3A_296 = vector.shape_cast %swap3A_295 : vector<1x8x3840xf32> to vector<8x3840xf32>
      %swap3A_297 = vector.shape_cast %get3A_291 : vector<8x3840xf32> to vector<1x8x3840xf32>
      tpu.vector_store %arg5[%swap3A_292, %swap3A_293, %swap3A_294], %swap3A_297 {strides = array<i32>} : memref<3x256x3840xf32, #tpu.memory_space<vmem>>, vector<1x8x3840xf32>,
      %get3A_298 = arith.index_cast %arg0 : i32 to index
      %get3A_299 = arith.constant 0 : index
      %get3A_300 = arith.constant 63 : index
      %get3A_301 = vector.load %arg4[%get3A_298, %get3A_299, %get3A_300] : memref<12x8x4096xf32, #tpu.memory_space<vmem>>, vector<1x8x3840xf32>
      %get3A_302 = vector.shape_cast %get3A_301 : vector<1x8x3840xf32> to vector<8x3840xf32>
      %swap3A_303 = arith.index_cast %rem3A_0 : i32 to index
      %swap3A_304 = arith.constant 192 : index
      %swap3A_305 = arith.constant 0 : index
      %swap3A_306 = vector.load %arg5[%swap3A_303, %swap3A_304, %swap3A_305] : memref<3x256x3840xf32, #tpu.memory_space<vmem>>, vector<1x8x3840xf32>
      %swap3A_307 = vector.shape_cast %swap3A_306 : vector<1x8x3840xf32> to vector<8x3840xf32>
      %swap3A_308 = vector.shape_cast %get3A_302 : vector<8x3840xf32> to vector<1x8x3840xf32>
      tpu.vector_store %arg5[%swap3A_303, %swap3A_304, %swap3A_305], %swap3A_308 {strides = array<i32>} : memref<3x256x3840xf32, #tpu.memory_space<vmem>>, vector<1x8x3840xf32>,
      %get3A_309 = arith.index_cast %arg0 : i32 to index
      %get3A_310 = arith.constant 0 : index
      %get3A_311 = arith.constant 55 : index
      %get3A_312 = vector.load %arg4[%get3A_309, %get3A_310, %get3A_311] : memref<12x8x4096xf32, #tpu.memory_space<vmem>>, vector<1x8x3840xf32>
      %get3A_313 = vector.shape_cast %get3A_312 : vector<1x8x3840xf32> to vector<8x3840xf32>
      %swap3A_314 = arith.index_cast %rem3A_0 : i32 to index
      %swap3A_315 = arith.constant 200 : index
      %swap3A_316 = arith.constant 0 : index
      %swap3A_317 = vector.load %arg5[%swap3A_314, %swap3A_315, %swap3A_316] : memref<3x256x3840xf32, #tpu.memory_space<vmem>>, vector<1x8x3840xf32>
      %swap3A_318 = vector.shape_cast %swap3A_317 : vector<1x8x3840xf32> to vector<8x3840xf32>
      %swap3A_319 = vector.shape_cast %get3A_313 : vector<8x3840xf32> to vector<1x8x3840xf32>
      tpu.vector_store %arg5[%swap3A_314, %swap3A_315, %swap3A_316], %swap3A_319 {strides = array<i32>} : memref<3x256x3840xf32, #tpu.memory_space<vmem>>, vector<1x8x3840xf32>,
      %get3A_320 = arith.index_cast %arg0 : i32 to index
      %get3A_321 = arith.constant 0 : index
      %get3A_322 = arith.constant 47 : index
      %get3A_323 = vector.load %arg4[%get3A_320, %get3A_321, %get3A_322] : memref<12x8x4096xf32, #tpu.memory_space<vmem>>, vector<1x8x3840xf32>
      %get3A_324 = vector.shape_cast %get3A_323 : vector<1x8x3840xf32> to vector<8x3840xf32>
      %swap3A_325 = arith.index_cast %rem3A_0 : i32 to index
      %swap3A_326 = arith.constant 208 : index
      %swap3A_327 = arith.constant 0 : index
      %swap3A_328 = vector.load %arg5[%swap3A_325, %swap3A_326, %swap3A_327] : memref<3x256x3840xf32, #tpu.memory_space<vmem>>, vector<1x8x3840xf32>
      %swap3A_329 = vector.shape_cast %swap3A_328 : vector<1x8x3840xf32> to vector<8x3840xf32>
      %swap3A_330 = vector.shape_cast %get3A_324 : vector<8x3840xf32> to vector<1x8x3840xf32>
      tpu.vector_store %arg5[%swap3A_325, %swap3A_326, %swap3A_327], %swap3A_330 {strides = array<i32>} : memref<3x256x3840xf32, #tpu.memory_space<vmem>>, vector<1x8x3840xf32>,
      %get3A_331 = arith.index_cast %arg0 : i32 to index
      %get3A_332 = arith.constant 0 : index
      %get3A_333 = arith.constant 39 : index
      %get3A_334 = vector.load %arg4[%get3A_331, %get3A_332, %get3A_333] : memref<12x8x4096xf32, #tpu.memory_space<vmem>>, vector<1x8x3840xf32>
      %get3A_335 = vector.shape_cast %get3A_334 : vector<1x8x3840xf32> to vector<8x3840xf32>
      %swap3A_336 = arith.index_cast %rem3A_0 : i32 to index
      %swap3A_337 = arith.constant 216 : index
      %swap3A_338 = arith.constant 0 : index
      %swap3A_339 = vector.load %arg5[%swap3A_336, %swap3A_337, %swap3A_338] : memref<3x256x3840xf32, #tpu.memory_space<vmem>>, vector<1x8x3840xf32>
      %swap3A_340 = vector.shape_cast %swap3A_339 : vector<1x8x3840xf32> to vector<8x3840xf32>
      %swap3A_341 = vector.shape_cast %get3A_335 : vector<8x3840xf32> to vector<1x8x3840xf32>
      tpu.vector_store %arg5[%swap3A_336, %swap3A_337, %swap3A_338], %swap3A_341 {strides = array<i32>} : memref<3x256x3840xf32, #tpu.memory_space<vmem>>, vector<1x8x3840xf32>,
      %get3A_342 = arith.index_cast %arg0 : i32 to index
      %get3A_343 = arith.constant 0 : index
      %get3A_344 = arith.constant 31 : index
      %get3A_345 = vector.load %arg4[%get3A_342, %get3A_343, %get3A_344] : memref<12x8x4096xf32, #tpu.memory_space<vmem>>, vector<1x8x3840xf32>
      %get3A_346 = vector.shape_cast %get3A_345 : vector<1x8x3840xf32> to vector<8x3840xf32>
      %swap3A_347 = arith.index_cast %rem3A_0 : i32 to index
      %swap3A_348 = arith.constant 224 : index
      %swap3A_349 = arith.constant 0 : index
      %swap3A_350 = vector.load %arg5[%swap3A_347, %swap3A_348, %swap3A_349] : memref<3x256x3840xf32, #tpu.memory_space<vmem>>, vector<1x8x3840xf32>
      %swap3A_351 = vector.shape_cast %swap3A_350 : vector<1x8x3840xf32> to vector<8x3840xf32>
      %swap3A_352 = vector.shape_cast %get3A_346 : vector<8x3840xf32> to vector<1x8x3840xf32>
      tpu.vector_store %arg5[%swap3A_347, %swap3A_348, %swap3A_349], %swap3A_352 {strides = array<i32>} : memref<3x256x3840xf32, #tpu.memory_space<vmem>>, vector<1x8x3840xf32>,
      %get3A_353 = arith.index_cast %arg0 : i32 to index
      %get3A_354 = arith.constant 0 : index
      %get3A_355 = arith.constant 23 : index
      %get3A_356 = vector.load %arg4[%get3A_353, %get3A_354, %get3A_355] : memref<12x8x4096xf32, #tpu.memory_space<vmem>>, vector<1x8x3840xf32>
      %get3A_357 = vector.shape_cast %get3A_356 : vector<1x8x3840xf32> to vector<8x3840xf32>
      %swap3A_358 = arith.index_cast %rem3A_0 : i32 to index
      %swap3A_359 = arith.constant 232 : index
      %swap3A_360 = arith.constant 0 : index
      %swap3A_361 = vector.load %arg5[%swap3A_358, %swap3A_359, %swap3A_360] : memref<3x256x3840xf32, #tpu.memory_space<vmem>>, vector<1x8x3840xf32>
      %swap3A_362 = vector.shape_cast %swap3A_361 : vector<1x8x3840xf32> to vector<8x3840xf32>
      %swap3A_363 = vector.shape_cast %get3A_357 : vector<8x3840xf32> to vector<1x8x3840xf32>
      tpu.vector_store %arg5[%swap3A_358, %swap3A_359, %swap3A_360], %swap3A_363 {strides = array<i32>} : memref<3x256x3840xf32, #tpu.memory_space<vmem>>, vector<1x8x3840xf32>,
      %get3A_364 = arith.index_cast %arg0 : i32 to index
      %get3A_365 = arith.constant 0 : index
      %get3A_366 = arith.constant 15 : index
      %get3A_367 = vector.load %arg4[%get3A_364, %get3A_365, %get3A_366] : memref<12x8x4096xf32, #tpu.memory_space<vmem>>, vector<1x8x3840xf32>
      %get3A_368 = vector.shape_cast %get3A_367 : vector<1x8x3840xf32> to vector<8x3840xf32>
      %swap3A_369 = arith.index_cast %rem3A_0 : i32 to index
      %swap3A_370 = arith.constant 240 : index
      %swap3A_371 = arith.constant 0 : index
      %swap3A_372 = vector.load %arg5[%swap3A_369, %swap3A_370, %swap3A_371] : memref<3x256x3840xf32, #tpu.memory_space<vmem>>, vector<1x8x3840xf32>
      %swap3A_373 = vector.shape_cast %swap3A_372 : vector<1x8x3840xf32> to vector<8x3840xf32>
      %swap3A_374 = vector.shape_cast %get3A_368 : vector<8x3840xf32> to vector<1x8x3840xf32>
      tpu.vector_store %arg5[%swap3A_369, %swap3A_370, %swap3A_371], %swap3A_374 {strides = array<i32>} : memref<3x256x3840xf32, #tpu.memory_space<vmem>>, vector<1x8x3840xf32>,
      %get3A_375 = arith.index_cast %arg0 : i32 to index
      %get3A_376 = arith.constant 0 : index
      %get3A_377 = arith.constant 7 : index
      %get3A_378 = vector.load %arg4[%get3A_375, %get3A_376, %get3A_377] : memref<12x8x4096xf32, #tpu.memory_space<vmem>>, vector<1x8x3840xf32>
      %get3A_379 = vector.shape_cast %get3A_378 : vector<1x8x3840xf32> to vector<8x3840xf32>
      %swap3A_380 = arith.index_cast %rem3A_0 : i32 to index
      %swap3A_381 = arith.constant 248 : index
      %swap3A_382 = arith.constant 0 : index
      %swap3A_383 = vector.load %arg5[%swap3A_380, %swap3A_381, %swap3A_382] : memref<3x256x3840xf32, #tpu.memory_space<vmem>>, vector<1x8x3840xf32>
      %swap3A_384 = vector.shape_cast %swap3A_383 : vector<1x8x3840xf32> to vector<8x3840xf32>
      %swap3A_385 = vector.shape_cast %get3A_379 : vector<8x3840xf32> to vector<1x8x3840xf32>
      tpu.vector_store %arg5[%swap3A_380, %swap3A_381, %swap3A_382], %swap3A_385 {strides = array<i32>} : memref<3x256x3840xf32, #tpu.memory_space<vmem>>, vector<1x8x3840xf32>,
    } else {
    }
    %sub3A = arith.constant 7 : i32
    %sub3A_14 = arith.subi %sub3A, %arg1 : i32
    %mul3A = arith.constant 256 : i32
    %mul3A_15 = arith.muli %sub3A_14, %mul3A : i32
    %mul3A_16 = arith.constant 256 : i32
    %mul3A_17 = arith.muli %arg1, %mul3A_16 : i32
    %rem3A_18 = arith.constant 2 : i32
    %rem3A_19 = arith.remsi %arg0, %rem3A_18 : i32
    %dma_start3A = arith.constant 0 : i32
    %dma_start3A_20 = tpu.memref_slice %arg6[%rem3A_19, %arg1] : memref<2x8x!tpu.dma_semaphore, #tpu.memory_space<semaphore_mem>> -> memref<1x1x!tpu.dma_semaphore, #tpu.memory_space<semaphore_mem>>
    %dma_start3A_21 = tpu.memref_squeeze %dma_start3A_20 : memref<1x1x!tpu.dma_semaphore, #tpu.memory_space<semaphore_mem>> -> memref<!tpu.dma_semaphore, #tpu.memory_space<semaphore_mem>>
    %dma_start3A_22 = arith.constant 0 : i32
    %dma_start3A_23 = tpu.memref_slice %arg3[%dma_start3A, %arg0, %mul3A_17, %dma_start3A_22] : memref<1x12x2048x2048xf32, #tpu.memory_space<any>> -> memref<1x1x256x2048xf32, #tpu.memory_space<any>>
    %dma_start3A_24 = tpu.memref_squeeze %dma_start3A_23 : memref<1x1x256x2048xf32, #tpu.memory_space<any>> -> memref<256x2048xf32, #tpu.memory_space<any>>
    %dma_start3A_25 = arith.constant 0 : i32
    %dma_start3A_26 = tpu.memref_slice %arg5[%rem3A_0, %dma_start3A_25, %mul3A_15] : memref<3x256x3840xf32, #tpu.memory_space<vmem>> -> memref<1x256x2048xf32, #tpu.memory_space<vmem>>
    %dma_start3A_27 = tpu.memref_squeeze %dma_start3A_26 : memref<1x256x2048xf32, #tpu.memory_space<vmem>> -> memref<256x2048xf32, #tpu.memory_space<vmem>>
    tpu.enqueue_dma source(%dma_start3A_27 : memref<256x2048xf32, #tpu.memory_space<vmem>>) target(%dma_start3A_24 : memref<256x2048xf32, #tpu.memory_space<any>>) target_semaphore(%dma_start3A_21 : memref<!tpu.dma_semaphore, #tpu.memory_space<semaphore_mem>>)
    %eq3A_28 = arith.constant 11 : i32
    %eq3A_29 = arith.cmpi eq, %arg0, %eq3A_28 : i32
    %eq3A_30 = arith.constant 7 : i32
    %eq3A_31 = arith.cmpi eq, %arg1, %eq3A_30 : i32
    %and3A_32 = arith.andi %eq3A_29, %eq3A_31 : i1
    %convert_element_type3A_33 = arith.extui %and3A_32 : i1 to i32
    %cond3A_34 = arith.constant 0 : i32
    %cond3A_35 = arith.cmpi ne, %convert_element_type3A_33, %cond3A_34 : i32
    scf.if %cond3A_35 {
      %sub3A_36 = arith.constant 1 : i32
      %sub3A_37 = arith.subi %arg0, %sub3A_36 : i32
      %sub3A_38 = arith.constant 1 : i32
      %sub3A_39 = arith.subi %arg0, %sub3A_38 : i32
      %rem3A_40 = arith.constant 3 : i32
      %rem3A_41 = arith.remsi %sub3A_39, %rem3A_40 : i32
      %rem3A_42 = arith.constant 2 : i32
      %rem3A_43 = arith.remsi %sub3A_37, %rem3A_42 : i32
      %dma_wait3A = arith.constant 0 : i32
      %dma_wait3A_44 = arith.constant 0 : i32
      %dma_wait3A_45 = tpu.memref_slice %arg6[%rem3A_43, %dma_wait3A_44] : memref<2x8x!tpu.dma_semaphore, #tpu.memory_space<semaphore_mem>> -> memref<1x1x!tpu.dma_semaphore, #tpu.memory_space<semaphore_mem>>
      %dma_wait3A_46 = tpu.memref_squeeze %dma_wait3A_45 : memref<1x1x!tpu.dma_semaphore, #tpu.memory_space<semaphore_mem>> -> memref<!tpu.dma_semaphore, #tpu.memory_space<semaphore_mem>>
      %dma_wait3A_47 = arith.constant 0 : i32
      %dma_wait3A_48 = arith.constant 0 : i32
      %dma_wait3A_49 = tpu.memref_slice %arg3[%dma_wait3A, %sub3A_37, %dma_wait3A_47, %dma_wait3A_48] : memref<1x12x2048x2048xf32, #tpu.memory_space<any>> -> memref<1x1x256x2048xf32, #tpu.memory_space<any>>
      %dma_wait3A_50 = tpu.memref_squeeze %dma_wait3A_49 : memref<1x1x256x2048xf32, #tpu.memory_space<any>> -> memref<256x2048xf32, #tpu.memory_space<any>>
      %dma_wait3A_51 = arith.constant 0 : i32
      %dma_wait3A_52 = arith.constant 1792 : i32
      %dma_wait3A_53 = tpu.memref_slice %arg5[%rem3A_41, %dma_wait3A_51, %dma_wait3A_52] : memref<3x256x3840xf32, #tpu.memory_space<vmem>> -> memref<1x256x2048xf32, #tpu.memory_space<vmem>>
      %dma_wait3A_54 = tpu.memref_squeeze %dma_wait3A_53 : memref<1x256x2048xf32, #tpu.memory_space<vmem>> -> memref<256x2048xf32, #tpu.memory_space<vmem>>
      tpu.wait_dma2 semaphore(%dma_wait3A_46 : memref<!tpu.dma_semaphore, #tpu.memory_space<semaphore_mem>>) src(%dma_wait3A_54 : memref<256x2048xf32, #tpu.memory_space<vmem>>) dst(%dma_wait3A_50 : memref<256x2048xf32, #tpu.memory_space<any>>)
      %sub3A_55 = arith.constant 1 : i32
      %sub3A_56 = arith.subi %arg0, %sub3A_55 : i32
      %sub3A_57 = arith.constant 1 : i32
      %sub3A_58 = arith.subi %arg0, %sub3A_57 : i32
      %rem3A_59 = arith.constant 3 : i32
      %rem3A_60 = arith.remsi %sub3A_58, %rem3A_59 : i32
      %rem3A_61 = arith.constant 2 : i32
      %rem3A_62 = arith.remsi %sub3A_56, %rem3A_61 : i32
      %dma_wait3A_63 = arith.constant 0 : i32
      %dma_wait3A_64 = arith.constant 1 : i32
      %dma_wait3A_65 = tpu.memref_slice %arg6[%rem3A_62, %dma_wait3A_64] : memref<2x8x!tpu.dma_semaphore, #tpu.memory_space<semaphore_mem>> -> memref<1x1x!tpu.dma_semaphore, #tpu.memory_space<semaphore_mem>>
      %dma_wait3A_66 = tpu.memref_squeeze %dma_wait3A_65 : memref<1x1x!tpu.dma_semaphore, #tpu.memory_space<semaphore_mem>> -> memref<!tpu.dma_semaphore, #tpu.memory_space<semaphore_mem>>
      %dma_wait3A_67 = arith.constant 256 : i32
      %dma_wait3A_68 = arith.constant 0 : i32
      %dma_wait3A_69 = tpu.memref_slice %arg3[%dma_wait3A_63, %sub3A_56, %dma_wait3A_67, %dma_wait3A_68] : memref<1x12x2048x2048xf32, #tpu.memory_space<any>> -> memref<1x1x256x2048xf32, #tpu.memory_space<any>>
      %dma_wait3A_70 = tpu.memref_squeeze %dma_wait3A_69 : memref<1x1x256x2048xf32, #tpu.memory_space<any>> -> memref<256x2048xf32, #tpu.memory_space<any>>
      %dma_wait3A_71 = arith.constant 0 : i32
      %dma_wait3A_72 = arith.constant 1536 : i32
      %dma_wait3A_73 = tpu.memref_slice %arg5[%rem3A_60, %dma_wait3A_71, %dma_wait3A_72] : memref<3x256x3840xf32, #tpu.memory_space<vmem>> -> memref<1x256x2048xf32, #tpu.memory_space<vmem>>
      %dma_wait3A_74 = tpu.memref_squeeze %dma_wait3A_73 : memref<1x256x2048xf32, #tpu.memory_space<vmem>> -> memref<256x2048xf32, #tpu.memory_space<vmem>>
      tpu.wait_dma2 semaphore(%dma_wait3A_66 : memref<!tpu.dma_semaphore, #tpu.memory_space<semaphore_mem>>) src(%dma_wait3A_74 : memref<256x2048xf32, #tpu.memory_space<vmem>>) dst(%dma_wait3A_70 : memref<256x2048xf32, #tpu.memory_space<any>>)
      %sub3A_75 = arith.constant 1 : i32
      %sub3A_76 = arith.subi %arg0, %sub3A_75 : i32
      %sub3A_77 = arith.constant 1 : i32
      %sub3A_78 = arith.subi %arg0, %sub3A_77 : i32
      %rem3A_79 = arith.constant 3 : i32
      %rem3A_80 = arith.remsi %sub3A_78, %rem3A_79 : i32
      %rem3A_81 = arith.constant 2 : i32
      %rem3A_82 = arith.remsi %sub3A_76, %rem3A_81 : i32
      %dma_wait3A_83 = arith.constant 0 : i32
      %dma_wait3A_84 = arith.constant 2 : i32
      %dma_wait3A_85 = tpu.memref_slice %arg6[%rem3A_82, %dma_wait3A_84] : memref<2x8x!tpu.dma_semaphore, #tpu.memory_space<semaphore_mem>> -> memref<1x1x!tpu.dma_semaphore, #tpu.memory_space<semaphore_mem>>
      %dma_wait3A_86 = tpu.memref_squeeze %dma_wait3A_85 : memref<1x1x!tpu.dma_semaphore, #tpu.memory_space<semaphore_mem>> -> memref<!tpu.dma_semaphore, #tpu.memory_space<semaphore_mem>>
      %dma_wait3A_87 = arith.constant 512 : i32
      %dma_wait3A_88 = arith.constant 0 : i32
      %dma_wait3A_89 = tpu.memref_slice %arg3[%dma_wait3A_83, %sub3A_76, %dma_wait3A_87, %dma_wait3A_88] : memref<1x12x2048x2048xf32, #tpu.memory_space<any>> -> memref<1x1x256x2048xf32, #tpu.memory_space<any>>
      %dma_wait3A_90 = tpu.memref_squeeze %dma_wait3A_89 : memref<1x1x256x2048xf32, #tpu.memory_space<any>> -> memref<256x2048xf32, #tpu.memory_space<any>>
      %dma_wait3A_91 = arith.constant 0 : i32
      %dma_wait3A_92 = arith.constant 1280 : i32
      %dma_wait3A_93 = tpu.memref_slice %arg5[%rem3A_80, %dma_wait3A_91, %dma_wait3A_92] : memref<3x256x3840xf32, #tpu.memory_space<vmem>> -> memref<1x256x2048xf32, #tpu.memory_space<vmem>>
      %dma_wait3A_94 = tpu.memref_squeeze %dma_wait3A_93 : memref<1x256x2048xf32, #tpu.memory_space<vmem>> -> memref<256x2048xf32, #tpu.memory_space<vmem>>
      tpu.wait_dma2 semaphore(%dma_wait3A_86 : memref<!tpu.dma_semaphore, #tpu.memory_space<semaphore_mem>>) src(%dma_wait3A_94 : memref<256x2048xf32, #tpu.memory_space<vmem>>) dst(%dma_wait3A_90 : memref<256x2048xf32, #tpu.memory_space<any>>)
      %sub3A_95 = arith.constant 1 : i32
      %sub3A_96 = arith.subi %arg0, %sub3A_95 : i32
      %sub3A_97 = arith.constant 1 : i32
      %sub3A_98 = arith.subi %arg0, %sub3A_97 : i32
      %rem3A_99 = arith.constant 3 : i32
      %rem3A_100 = arith.remsi %sub3A_98, %rem3A_99 : i32
      %rem3A_101 = arith.constant 2 : i32
      %rem3A_102 = arith.remsi %sub3A_96, %rem3A_101 : i32
      %dma_wait3A_103 = arith.constant 0 : i32
      %dma_wait3A_104 = arith.constant 3 : i32
      %dma_wait3A_105 = tpu.memref_slice %arg6[%rem3A_102, %dma_wait3A_104] : memref<2x8x!tpu.dma_semaphore, #tpu.memory_space<semaphore_mem>> -> memref<1x1x!tpu.dma_semaphore, #tpu.memory_space<semaphore_mem>>
      %dma_wait3A_106 = tpu.memref_squeeze %dma_wait3A_105 : memref<1x1x!tpu.dma_semaphore, #tpu.memory_space<semaphore_mem>> -> memref<!tpu.dma_semaphore, #tpu.memory_space<semaphore_mem>>
      %dma_wait3A_107 = arith.constant 768 : i32
      %dma_wait3A_108 = arith.constant 0 : i32
      %dma_wait3A_109 = tpu.memref_slice %arg3[%dma_wait3A_103, %sub3A_96, %dma_wait3A_107, %dma_wait3A_108] : memref<1x12x2048x2048xf32, #tpu.memory_space<any>> -> memref<1x1x256x2048xf32, #tpu.memory_space<any>>
      %dma_wait3A_110 = tpu.memref_squeeze %dma_wait3A_109 : memref<1x1x256x2048xf32, #tpu.memory_space<any>> -> memref<256x2048xf32, #tpu.memory_space<any>>
      %dma_wait3A_111 = arith.constant 0 : i32
      %dma_wait3A_112 = arith.constant 1024 : i32
      %dma_wait3A_113 = tpu.memref_slice %arg5[%rem3A_100, %dma_wait3A_111, %dma_wait3A_112] : memref<3x256x3840xf32, #tpu.memory_space<vmem>> -> memref<1x256x2048xf32, #tpu.memory_space<vmem>>
      %dma_wait3A_114 = tpu.memref_squeeze %dma_wait3A_113 : memref<1x256x2048xf32, #tpu.memory_space<vmem>> -> memref<256x2048xf32, #tpu.memory_space<vmem>>
      tpu.wait_dma2 semaphore(%dma_wait3A_106 : memref<!tpu.dma_semaphore, #tpu.memory_space<semaphore_mem>>) src(%dma_wait3A_114 : memref<256x2048xf32, #tpu.memory_space<vmem>>) dst(%dma_wait3A_110 : memref<256x2048xf32, #tpu.memory_space<any>>)
      %sub3A_115 = arith.constant 1 : i32
      %sub3A_116 = arith.subi %arg0, %sub3A_115 : i32
      %sub3A_117 = arith.constant 1 : i32
      %sub3A_118 = arith.subi %arg0, %sub3A_117 : i32
      %rem3A_119 = arith.constant 3 : i32
      %rem3A_120 = arith.remsi %sub3A_118, %rem3A_119 : i32
      %rem3A_121 = arith.constant 2 : i32
      %rem3A_122 = arith.remsi %sub3A_116, %rem3A_121 : i32
      %dma_wait3A_123 = arith.constant 0 : i32
      %dma_wait3A_124 = arith.constant 4 : i32
      %dma_wait3A_125 = tpu.memref_slice %arg6[%rem3A_122, %dma_wait3A_124] : memref<2x8x!tpu.dma_semaphore, #tpu.memory_space<semaphore_mem>> -> memref<1x1x!tpu.dma_semaphore, #tpu.memory_space<semaphore_mem>>
      %dma_wait3A_126 = tpu.memref_squeeze %dma_wait3A_125 : memref<1x1x!tpu.dma_semaphore, #tpu.memory_space<semaphore_mem>> -> memref<!tpu.dma_semaphore, #tpu.memory_space<semaphore_mem>>
      %dma_wait3A_127 = arith.constant 1024 : i32
      %dma_wait3A_128 = arith.constant 0 : i32
      %dma_wait3A_129 = tpu.memref_slice %arg3[%dma_wait3A_123, %sub3A_116, %dma_wait3A_127, %dma_wait3A_128] : memref<1x12x2048x2048xf32, #tpu.memory_space<any>> -> memref<1x1x256x2048xf32, #tpu.memory_space<any>>
      %dma_wait3A_130 = tpu.memref_squeeze %dma_wait3A_129 : memref<1x1x256x2048xf32, #tpu.memory_space<any>> -> memref<256x2048xf32, #tpu.memory_space<any>>
      %dma_wait3A_131 = arith.constant 0 : i32
      %dma_wait3A_132 = arith.constant 768 : i32
      %dma_wait3A_133 = tpu.memref_slice %arg5[%rem3A_120, %dma_wait3A_131, %dma_wait3A_132] : memref<3x256x3840xf32, #tpu.memory_space<vmem>> -> memref<1x256x2048xf32, #tpu.memory_space<vmem>>
      %dma_wait3A_134 = tpu.memref_squeeze %dma_wait3A_133 : memref<1x256x2048xf32, #tpu.memory_space<vmem>> -> memref<256x2048xf32, #tpu.memory_space<vmem>>
      tpu.wait_dma2 semaphore(%dma_wait3A_126 : memref<!tpu.dma_semaphore, #tpu.memory_space<semaphore_mem>>) src(%dma_wait3A_134 : memref<256x2048xf32, #tpu.memory_space<vmem>>) dst(%dma_wait3A_130 : memref<256x2048xf32, #tpu.memory_space<any>>)
      %sub3A_135 = arith.constant 1 : i32
      %sub3A_136 = arith.subi %arg0, %sub3A_135 : i32
      %sub3A_137 = arith.constant 1 : i32
      %sub3A_138 = arith.subi %arg0, %sub3A_137 : i32
      %rem3A_139 = arith.constant 3 : i32
      %rem3A_140 = arith.remsi %sub3A_138, %rem3A_139 : i32
      %rem3A_141 = arith.constant 2 : i32
      %rem3A_142 = arith.remsi %sub3A_136, %rem3A_141 : i32
      %dma_wait3A_143 = arith.constant 0 : i32
      %dma_wait3A_144 = arith.constant 5 : i32
      %dma_wait3A_145 = tpu.memref_slice %arg6[%rem3A_142, %dma_wait3A_144] : memref<2x8x!tpu.dma_semaphore, #tpu.memory_space<semaphore_mem>> -> memref<1x1x!tpu.dma_semaphore, #tpu.memory_space<semaphore_mem>>
      %dma_wait3A_146 = tpu.memref_squeeze %dma_wait3A_145 : memref<1x1x!tpu.dma_semaphore, #tpu.memory_space<semaphore_mem>> -> memref<!tpu.dma_semaphore, #tpu.memory_space<semaphore_mem>>
      %dma_wait3A_147 = arith.constant 1280 : i32
      %dma_wait3A_148 = arith.constant 0 : i32
      %dma_wait3A_149 = tpu.memref_slice %arg3[%dma_wait3A_143, %sub3A_136, %dma_wait3A_147, %dma_wait3A_148] : memref<1x12x2048x2048xf32, #tpu.memory_space<any>> -> memref<1x1x256x2048xf32, #tpu.memory_space<any>>
      %dma_wait3A_150 = tpu.memref_squeeze %dma_wait3A_149 : memref<1x1x256x2048xf32, #tpu.memory_space<any>> -> memref<256x2048xf32, #tpu.memory_space<any>>
      %dma_wait3A_151 = arith.constant 0 : i32
      %dma_wait3A_152 = arith.constant 512 : i32
      %dma_wait3A_153 = tpu.memref_slice %arg5[%rem3A_140, %dma_wait3A_151, %dma_wait3A_152] : memref<3x256x3840xf32, #tpu.memory_space<vmem>> -> memref<1x256x2048xf32, #tpu.memory_space<vmem>>
      %dma_wait3A_154 = tpu.memref_squeeze %dma_wait3A_153 : memref<1x256x2048xf32, #tpu.memory_space<vmem>> -> memref<256x2048xf32, #tpu.memory_space<vmem>>
      tpu.wait_dma2 semaphore(%dma_wait3A_146 : memref<!tpu.dma_semaphore, #tpu.memory_space<semaphore_mem>>) src(%dma_wait3A_154 : memref<256x2048xf32, #tpu.memory_space<vmem>>) dst(%dma_wait3A_150 : memref<256x2048xf32, #tpu.memory_space<any>>)
      %sub3A_155 = arith.constant 1 : i32
      %sub3A_156 = arith.subi %arg0, %sub3A_155 : i32
      %sub3A_157 = arith.constant 1 : i32
      %sub3A_158 = arith.subi %arg0, %sub3A_157 : i32
      %rem3A_159 = arith.constant 3 : i32
      %rem3A_160 = arith.remsi %sub3A_158, %rem3A_159 : i32
      %rem3A_161 = arith.constant 2 : i32
      %rem3A_162 = arith.remsi %sub3A_156, %rem3A_161 : i32
      %dma_wait3A_163 = arith.constant 0 : i32
      %dma_wait3A_164 = arith.constant 6 : i32
      %dma_wait3A_165 = tpu.memref_slice %arg6[%rem3A_162, %dma_wait3A_164] : memref<2x8x!tpu.dma_semaphore, #tpu.memory_space<semaphore_mem>> -> memref<1x1x!tpu.dma_semaphore, #tpu.memory_space<semaphore_mem>>
      %dma_wait3A_166 = tpu.memref_squeeze %dma_wait3A_165 : memref<1x1x!tpu.dma_semaphore, #tpu.memory_space<semaphore_mem>> -> memref<!tpu.dma_semaphore, #tpu.memory_space<semaphore_mem>>
      %dma_wait3A_167 = arith.constant 1536 : i32
      %dma_wait3A_168 = arith.constant 0 : i32
      %dma_wait3A_169 = tpu.memref_slice %arg3[%dma_wait3A_163, %sub3A_156, %dma_wait3A_167, %dma_wait3A_168] : memref<1x12x2048x2048xf32, #tpu.memory_space<any>> -> memref<1x1x256x2048xf32, #tpu.memory_space<any>>
      %dma_wait3A_170 = tpu.memref_squeeze %dma_wait3A_169 : memref<1x1x256x2048xf32, #tpu.memory_space<any>> -> memref<256x2048xf32, #tpu.memory_space<any>>
      %dma_wait3A_171 = arith.constant 0 : i32
      %dma_wait3A_172 = arith.constant 256 : i32
      %dma_wait3A_173 = tpu.memref_slice %arg5[%rem3A_160, %dma_wait3A_171, %dma_wait3A_172] : memref<3x256x3840xf32, #tpu.memory_space<vmem>> -> memref<1x256x2048xf32, #tpu.memory_space<vmem>>
      %dma_wait3A_174 = tpu.memref_squeeze %dma_wait3A_173 : memref<1x256x2048xf32, #tpu.memory_space<vmem>> -> memref<256x2048xf32, #tpu.memory_space<vmem>>
      tpu.wait_dma2 semaphore(%dma_wait3A_166 : memref<!tpu.dma_semaphore, #tpu.memory_space<semaphore_mem>>) src(%dma_wait3A_174 : memref<256x2048xf32, #tpu.memory_space<vmem>>) dst(%dma_wait3A_170 : memref<256x2048xf32, #tpu.memory_space<any>>)
      %sub3A_175 = arith.constant 1 : i32
      %sub3A_176 = arith.subi %arg0, %sub3A_175 : i32
      %sub3A_177 = arith.constant 1 : i32
      %sub3A_178 = arith.subi %arg0, %sub3A_177 : i32
      %rem3A_179 = arith.constant 3 : i32
      %rem3A_180 = arith.remsi %sub3A_178, %rem3A_179 : i32
      %rem3A_181 = arith.constant 2 : i32
      %rem3A_182 = arith.remsi %sub3A_176, %rem3A_181 : i32
      %dma_wait3A_183 = arith.constant 0 : i32
      %dma_wait3A_184 = arith.constant 7 : i32
      %dma_wait3A_185 = tpu.memref_slice %arg6[%rem3A_182, %dma_wait3A_184] : memref<2x8x!tpu.dma_semaphore, #tpu.memory_space<semaphore_mem>> -> memref<1x1x!tpu.dma_semaphore, #tpu.memory_space<semaphore_mem>>
      %dma_wait3A_186 = tpu.memref_squeeze %dma_wait3A_185 : memref<1x1x!tpu.dma_semaphore, #tpu.memory_space<semaphore_mem>> -> memref<!tpu.dma_semaphore, #tpu.memory_space<semaphore_mem>>
      %dma_wait3A_187 = arith.constant 1792 : i32
      %dma_wait3A_188 = arith.constant 0 : i32
      %dma_wait3A_189 = tpu.memref_slice %arg3[%dma_wait3A_183, %sub3A_176, %dma_wait3A_187, %dma_wait3A_188] : memref<1x12x2048x2048xf32, #tpu.memory_space<any>> -> memref<1x1x256x2048xf32, #tpu.memory_space<any>>
      %dma_wait3A_190 = tpu.memref_squeeze %dma_wait3A_189 : memref<1x1x256x2048xf32, #tpu.memory_space<any>> -> memref<256x2048xf32, #tpu.memory_space<any>>
      %dma_wait3A_191 = arith.constant 0 : i32
      %dma_wait3A_192 = arith.constant 0 : i32
      %dma_wait3A_193 = tpu.memref_slice %arg5[%rem3A_180, %dma_wait3A_191, %dma_wait3A_192] : memref<3x256x3840xf32, #tpu.memory_space<vmem>> -> memref<1x256x2048xf32, #tpu.memory_space<vmem>>
      %dma_wait3A_194 = tpu.memref_squeeze %dma_wait3A_193 : memref<1x256x2048xf32, #tpu.memory_space<vmem>> -> memref<256x2048xf32, #tpu.memory_space<vmem>>
      tpu.wait_dma2 semaphore(%dma_wait3A_186 : memref<!tpu.dma_semaphore, #tpu.memory_space<semaphore_mem>>) src(%dma_wait3A_194 : memref<256x2048xf32, #tpu.memory_space<vmem>>) dst(%dma_wait3A_190 : memref<256x2048xf32, #tpu.memory_space<any>>)
      %rem3A_195 = arith.constant 2 : i32
      %rem3A_196 = arith.remsi %arg0, %rem3A_195 : i32
      %dma_wait3A_197 = arith.constant 0 : i32
      %dma_wait3A_198 = arith.constant 0 : i32
      %dma_wait3A_199 = tpu.memref_slice %arg6[%rem3A_196, %dma_wait3A_198] : memref<2x8x!tpu.dma_semaphore, #tpu.memory_space<semaphore_mem>> -> memref<1x1x!tpu.dma_semaphore, #tpu.memory_space<semaphore_mem>>
      %dma_wait3A_200 = tpu.memref_squeeze %dma_wait3A_199 : memref<1x1x!tpu.dma_semaphore, #tpu.memory_space<semaphore_mem>> -> memref<!tpu.dma_semaphore, #tpu.memory_space<semaphore_mem>>
      %dma_wait3A_201 = arith.constant 0 : i32
      %dma_wait3A_202 = arith.constant 0 : i32
      %dma_wait3A_203 = tpu.memref_slice %arg3[%dma_wait3A_197, %arg0, %dma_wait3A_201, %dma_wait3A_202] : memref<1x12x2048x2048xf32, #tpu.memory_space<any>> -> memref<1x1x256x2048xf32, #tpu.memory_space<any>>
      %dma_wait3A_204 = tpu.memref_squeeze %dma_wait3A_203 : memref<1x1x256x2048xf32, #tpu.memory_space<any>> -> memref<256x2048xf32, #tpu.memory_space<any>>
      %dma_wait3A_205 = arith.constant 0 : i32
      %dma_wait3A_206 = arith.constant 1792 : i32
      %dma_wait3A_207 = tpu.memref_slice %arg5[%rem3A_0, %dma_wait3A_205, %dma_wait3A_206] : memref<3x256x3840xf32, #tpu.memory_space<vmem>> -> memref<1x256x2048xf32, #tpu.memory_space<vmem>>
      %dma_wait3A_208 = tpu.memref_squeeze %dma_wait3A_207 : memref<1x256x2048xf32, #tpu.memory_space<vmem>> -> memref<256x2048xf32, #tpu.memory_space<vmem>>
      tpu.wait_dma2 semaphore(%dma_wait3A_200 : memref<!tpu.dma_semaphore, #tpu.memory_space<semaphore_mem>>) src(%dma_wait3A_208 : memref<256x2048xf32, #tpu.memory_space<vmem>>) dst(%dma_wait3A_204 : memref<256x2048xf32, #tpu.memory_space<any>>)
      %rem3A_209 = arith.constant 2 : i32
      %rem3A_210 = arith.remsi %arg0, %rem3A_209 : i32
      %dma_wait3A_211 = arith.constant 0 : i32
      %dma_wait3A_212 = arith.constant 1 : i32
      %dma_wait3A_213 = tpu.memref_slice %arg6[%rem3A_210, %dma_wait3A_212] : memref<2x8x!tpu.dma_semaphore, #tpu.memory_space<semaphore_mem>> -> memref<1x1x!tpu.dma_semaphore, #tpu.memory_space<semaphore_mem>>
      %dma_wait3A_214 = tpu.memref_squeeze %dma_wait3A_213 : memref<1x1x!tpu.dma_semaphore, #tpu.memory_space<semaphore_mem>> -> memref<!tpu.dma_semaphore, #tpu.memory_space<semaphore_mem>>
      %dma_wait3A_215 = arith.constant 256 : i32
      %dma_wait3A_216 = arith.constant 0 : i32
      %dma_wait3A_217 = tpu.memref_slice %arg3[%dma_wait3A_211, %arg0, %dma_wait3A_215, %dma_wait3A_216] : memref<1x12x2048x2048xf32, #tpu.memory_space<any>> -> memref<1x1x256x2048xf32, #tpu.memory_space<any>>
      %dma_wait3A_218 = tpu.memref_squeeze %dma_wait3A_217 : memref<1x1x256x2048xf32, #tpu.memory_space<any>> -> memref<256x2048xf32, #tpu.memory_space<any>>
      %dma_wait3A_219 = arith.constant 0 : i32
      %dma_wait3A_220 = arith.constant 1536 : i32
      %dma_wait3A_221 = tpu.memref_slice %arg5[%rem3A_0, %dma_wait3A_219, %dma_wait3A_220] : memref<3x256x3840xf32, #tpu.memory_space<vmem>> -> memref<1x256x2048xf32, #tpu.memory_space<vmem>>
      %dma_wait3A_222 = tpu.memref_squeeze %dma_wait3A_221 : memref<1x256x2048xf32, #tpu.memory_space<vmem>> -> memref<256x2048xf32, #tpu.memory_space<vmem>>
      tpu.wait_dma2 semaphore(%dma_wait3A_214 : memref<!tpu.dma_semaphore, #tpu.memory_space<semaphore_mem>>) src(%dma_wait3A_222 : memref<256x2048xf32, #tpu.memory_space<vmem>>) dst(%dma_wait3A_218 : memref<256x2048xf32, #tpu.memory_space<any>>)
      %rem3A_223 = arith.constant 2 : i32
      %rem3A_224 = arith.remsi %arg0, %rem3A_223 : i32
      %dma_wait3A_225 = arith.constant 0 : i32
      %dma_wait3A_226 = arith.constant 2 : i32
      %dma_wait3A_227 = tpu.memref_slice %arg6[%rem3A_224, %dma_wait3A_226] : memref<2x8x!tpu.dma_semaphore, #tpu.memory_space<semaphore_mem>> -> memref<1x1x!tpu.dma_semaphore, #tpu.memory_space<semaphore_mem>>
      %dma_wait3A_228 = tpu.memref_squeeze %dma_wait3A_227 : memref<1x1x!tpu.dma_semaphore, #tpu.memory_space<semaphore_mem>> -> memref<!tpu.dma_semaphore, #tpu.memory_space<semaphore_mem>>
      %dma_wait3A_229 = arith.constant 512 : i32
      %dma_wait3A_230 = arith.constant 0 : i32
      %dma_wait3A_231 = tpu.memref_slice %arg3[%dma_wait3A_225, %arg0, %dma_wait3A_229, %dma_wait3A_230] : memref<1x12x2048x2048xf32, #tpu.memory_space<any>> -> memref<1x1x256x2048xf32, #tpu.memory_space<any>>
      %dma_wait3A_232 = tpu.memref_squeeze %dma_wait3A_231 : memref<1x1x256x2048xf32, #tpu.memory_space<any>> -> memref<256x2048xf32, #tpu.memory_space<any>>
      %dma_wait3A_233 = arith.constant 0 : i32
      %dma_wait3A_234 = arith.constant 1280 : i32
      %dma_wait3A_235 = tpu.memref_slice %arg5[%rem3A_0, %dma_wait3A_233, %dma_wait3A_234] : memref<3x256x3840xf32, #tpu.memory_space<vmem>> -> memref<1x256x2048xf32, #tpu.memory_space<vmem>>
      %dma_wait3A_236 = tpu.memref_squeeze %dma_wait3A_235 : memref<1x256x2048xf32, #tpu.memory_space<vmem>> -> memref<256x2048xf32, #tpu.memory_space<vmem>>
      tpu.wait_dma2 semaphore(%dma_wait3A_228 : memref<!tpu.dma_semaphore, #tpu.memory_space<semaphore_mem>>) src(%dma_wait3A_236 : memref<256x2048xf32, #tpu.memory_space<vmem>>) dst(%dma_wait3A_232 : memref<256x2048xf32, #tpu.memory_space<any>>)
      %rem3A_237 = arith.constant 2 : i32
      %rem3A_238 = arith.remsi %arg0, %rem3A_237 : i32
      %dma_wait3A_239 = arith.constant 0 : i32
      %dma_wait3A_240 = arith.constant 3 : i32
      %dma_wait3A_241 = tpu.memref_slice %arg6[%rem3A_238, %dma_wait3A_240] : memref<2x8x!tpu.dma_semaphore, #tpu.memory_space<semaphore_mem>> -> memref<1x1x!tpu.dma_semaphore, #tpu.memory_space<semaphore_mem>>
      %dma_wait3A_242 = tpu.memref_squeeze %dma_wait3A_241 : memref<1x1x!tpu.dma_semaphore, #tpu.memory_space<semaphore_mem>> -> memref<!tpu.dma_semaphore, #tpu.memory_space<semaphore_mem>>
      %dma_wait3A_243 = arith.constant 768 : i32
      %dma_wait3A_244 = arith.constant 0 : i32
      %dma_wait3A_245 = tpu.memref_slice %arg3[%dma_wait3A_239, %arg0, %dma_wait3A_243, %dma_wait3A_244] : memref<1x12x2048x2048xf32, #tpu.memory_space<any>> -> memref<1x1x256x2048xf32, #tpu.memory_space<any>>
      %dma_wait3A_246 = tpu.memref_squeeze %dma_wait3A_245 : memref<1x1x256x2048xf32, #tpu.memory_space<any>> -> memref<256x2048xf32, #tpu.memory_space<any>>
      %dma_wait3A_247 = arith.constant 0 : i32
      %dma_wait3A_248 = arith.constant 1024 : i32
      %dma_wait3A_249 = tpu.memref_slice %arg5[%rem3A_0, %dma_wait3A_247, %dma_wait3A_248] : memref<3x256x3840xf32, #tpu.memory_space<vmem>> -> memref<1x256x2048xf32, #tpu.memory_space<vmem>>
      %dma_wait3A_250 = tpu.memref_squeeze %dma_wait3A_249 : memref<1x256x2048xf32, #tpu.memory_space<vmem>> -> memref<256x2048xf32, #tpu.memory_space<vmem>>
      tpu.wait_dma2 semaphore(%dma_wait3A_242 : memref<!tpu.dma_semaphore, #tpu.memory_space<semaphore_mem>>) src(%dma_wait3A_250 : memref<256x2048xf32, #tpu.memory_space<vmem>>) dst(%dma_wait3A_246 : memref<256x2048xf32, #tpu.memory_space<any>>)
      %rem3A_251 = arith.constant 2 : i32
      %rem3A_252 = arith.remsi %arg0, %rem3A_251 : i32
      %dma_wait3A_253 = arith.constant 0 : i32
      %dma_wait3A_254 = arith.constant 4 : i32
      %dma_wait3A_255 = tpu.memref_slice %arg6[%rem3A_252, %dma_wait3A_254] : memref<2x8x!tpu.dma_semaphore, #tpu.memory_space<semaphore_mem>> -> memref<1x1x!tpu.dma_semaphore, #tpu.memory_space<semaphore_mem>>
      %dma_wait3A_256 = tpu.memref_squeeze %dma_wait3A_255 : memref<1x1x!tpu.dma_semaphore, #tpu.memory_space<semaphore_mem>> -> memref<!tpu.dma_semaphore, #tpu.memory_space<semaphore_mem>>
      %dma_wait3A_257 = arith.constant 1024 : i32
      %dma_wait3A_258 = arith.constant 0 : i32
      %dma_wait3A_259 = tpu.memref_slice %arg3[%dma_wait3A_253, %arg0, %dma_wait3A_257, %dma_wait3A_258] : memref<1x12x2048x2048xf32, #tpu.memory_space<any>> -> memref<1x1x256x2048xf32, #tpu.memory_space<any>>
      %dma_wait3A_260 = tpu.memref_squeeze %dma_wait3A_259 : memref<1x1x256x2048xf32, #tpu.memory_space<any>> -> memref<256x2048xf32, #tpu.memory_space<any>>
      %dma_wait3A_261 = arith.constant 0 : i32
      %dma_wait3A_262 = arith.constant 768 : i32
      %dma_wait3A_263 = tpu.memref_slice %arg5[%rem3A_0, %dma_wait3A_261, %dma_wait3A_262] : memref<3x256x3840xf32, #tpu.memory_space<vmem>> -> memref<1x256x2048xf32, #tpu.memory_space<vmem>>
      %dma_wait3A_264 = tpu.memref_squeeze %dma_wait3A_263 : memref<1x256x2048xf32, #tpu.memory_space<vmem>> -> memref<256x2048xf32, #tpu.memory_space<vmem>>
      tpu.wait_dma2 semaphore(%dma_wait3A_256 : memref<!tpu.dma_semaphore, #tpu.memory_space<semaphore_mem>>) src(%dma_wait3A_264 : memref<256x2048xf32, #tpu.memory_space<vmem>>) dst(%dma_wait3A_260 : memref<256x2048xf32, #tpu.memory_space<any>>)
      %rem3A_265 = arith.constant 2 : i32
      %rem3A_266 = arith.remsi %arg0, %rem3A_265 : i32
      %dma_wait3A_267 = arith.constant 0 : i32
      %dma_wait3A_268 = arith.constant 5 : i32
      %dma_wait3A_269 = tpu.memref_slice %arg6[%rem3A_266, %dma_wait3A_268] : memref<2x8x!tpu.dma_semaphore, #tpu.memory_space<semaphore_mem>> -> memref<1x1x!tpu.dma_semaphore, #tpu.memory_space<semaphore_mem>>
      %dma_wait3A_270 = tpu.memref_squeeze %dma_wait3A_269 : memref<1x1x!tpu.dma_semaphore, #tpu.memory_space<semaphore_mem>> -> memref<!tpu.dma_semaphore, #tpu.memory_space<semaphore_mem>>
      %dma_wait3A_271 = arith.constant 1280 : i32
      %dma_wait3A_272 = arith.constant 0 : i32
      %dma_wait3A_273 = tpu.memref_slice %arg3[%dma_wait3A_267, %arg0, %dma_wait3A_271, %dma_wait3A_272] : memref<1x12x2048x2048xf32, #tpu.memory_space<any>> -> memref<1x1x256x2048xf32, #tpu.memory_space<any>>
      %dma_wait3A_274 = tpu.memref_squeeze %dma_wait3A_273 : memref<1x1x256x2048xf32, #tpu.memory_space<any>> -> memref<256x2048xf32, #tpu.memory_space<any>>
      %dma_wait3A_275 = arith.constant 0 : i32
      %dma_wait3A_276 = arith.constant 512 : i32
      %dma_wait3A_277 = tpu.memref_slice %arg5[%rem3A_0, %dma_wait3A_275, %dma_wait3A_276] : memref<3x256x3840xf32, #tpu.memory_space<vmem>> -> memref<1x256x2048xf32, #tpu.memory_space<vmem>>
      %dma_wait3A_278 = tpu.memref_squeeze %dma_wait3A_277 : memref<1x256x2048xf32, #tpu.memory_space<vmem>> -> memref<256x2048xf32, #tpu.memory_space<vmem>>
      tpu.wait_dma2 semaphore(%dma_wait3A_270 : memref<!tpu.dma_semaphore, #tpu.memory_space<semaphore_mem>>) src(%dma_wait3A_278 : memref<256x2048xf32, #tpu.memory_space<vmem>>) dst(%dma_wait3A_274 : memref<256x2048xf32, #tpu.memory_space<any>>)
      %rem3A_279 = arith.constant 2 : i32
      %rem3A_280 = arith.remsi %arg0, %rem3A_279 : i32
      %dma_wait3A_281 = arith.constant 0 : i32
      %dma_wait3A_282 = arith.constant 6 : i32
      %dma_wait3A_283 = tpu.memref_slice %arg6[%rem3A_280, %dma_wait3A_282] : memref<2x8x!tpu.dma_semaphore, #tpu.memory_space<semaphore_mem>> -> memref<1x1x!tpu.dma_semaphore, #tpu.memory_space<semaphore_mem>>
      %dma_wait3A_284 = tpu.memref_squeeze %dma_wait3A_283 : memref<1x1x!tpu.dma_semaphore, #tpu.memory_space<semaphore_mem>> -> memref<!tpu.dma_semaphore, #tpu.memory_space<semaphore_mem>>
      %dma_wait3A_285 = arith.constant 1536 : i32
      %dma_wait3A_286 = arith.constant 0 : i32
      %dma_wait3A_287 = tpu.memref_slice %arg3[%dma_wait3A_281, %arg0, %dma_wait3A_285, %dma_wait3A_286] : memref<1x12x2048x2048xf32, #tpu.memory_space<any>> -> memref<1x1x256x2048xf32, #tpu.memory_space<any>>
      %dma_wait3A_288 = tpu.memref_squeeze %dma_wait3A_287 : memref<1x1x256x2048xf32, #tpu.memory_space<any>> -> memref<256x2048xf32, #tpu.memory_space<any>>
      %dma_wait3A_289 = arith.constant 0 : i32
      %dma_wait3A_290 = arith.constant 256 : i32
      %dma_wait3A_291 = tpu.memref_slice %arg5[%rem3A_0, %dma_wait3A_289, %dma_wait3A_290] : memref<3x256x3840xf32, #tpu.memory_space<vmem>> -> memref<1x256x2048xf32, #tpu.memory_space<vmem>>
      %dma_wait3A_292 = tpu.memref_squeeze %dma_wait3A_291 : memref<1x256x2048xf32, #tpu.memory_space<vmem>> -> memref<256x2048xf32, #tpu.memory_space<vmem>>
      tpu.wait_dma2 semaphore(%dma_wait3A_284 : memref<!tpu.dma_semaphore, #tpu.memory_space<semaphore_mem>>) src(%dma_wait3A_292 : memref<256x2048xf32, #tpu.memory_space<vmem>>) dst(%dma_wait3A_288 : memref<256x2048xf32, #tpu.memory_space<any>>)
      %rem3A_293 = arith.constant 2 : i32
      %rem3A_294 = arith.remsi %arg0, %rem3A_293 : i32
      %dma_wait3A_295 = arith.constant 0 : i32
      %dma_wait3A_296 = arith.constant 7 : i32
      %dma_wait3A_297 = tpu.memref_slice %arg6[%rem3A_294, %dma_wait3A_296] : memref<2x8x!tpu.dma_semaphore, #tpu.memory_space<semaphore_mem>> -> memref<1x1x!tpu.dma_semaphore, #tpu.memory_space<semaphore_mem>>
      %dma_wait3A_298 = tpu.memref_squeeze %dma_wait3A_297 : memref<1x1x!tpu.dma_semaphore, #tpu.memory_space<semaphore_mem>> -> memref<!tpu.dma_semaphore, #tpu.memory_space<semaphore_mem>>
      %dma_wait3A_299 = arith.constant 1792 : i32
      %dma_wait3A_300 = arith.constant 0 : i32
      %dma_wait3A_301 = tpu.memref_slice %arg3[%dma_wait3A_295, %arg0, %dma_wait3A_299, %dma_wait3A_300] : memref<1x12x2048x2048xf32, #tpu.memory_space<any>> -> memref<1x1x256x2048xf32, #tpu.memory_space<any>>
      %dma_wait3A_302 = tpu.memref_squeeze %dma_wait3A_301 : memref<1x1x256x2048xf32, #tpu.memory_space<any>> -> memref<256x2048xf32, #tpu.memory_space<any>>
      %dma_wait3A_303 = arith.constant 0 : i32
      %dma_wait3A_304 = arith.constant 0 : i32
      %dma_wait3A_305 = tpu.memref_slice %arg5[%rem3A_0, %dma_wait3A_303, %dma_wait3A_304] : memref<3x256x3840xf32, #tpu.memory_space<vmem>> -> memref<1x256x2048xf32, #tpu.memory_space<vmem>>
      %dma_wait3A_306 = tpu.memref_squeeze %dma_wait3A_305 : memref<1x256x2048xf32, #tpu.memory_space<vmem>> -> memref<256x2048xf32, #tpu.memory_space<vmem>>
      tpu.wait_dma2 semaphore(%dma_wait3A_298 : memref<!tpu.dma_semaphore, #tpu.memory_space<semaphore_mem>>) src(%dma_wait3A_306 : memref<256x2048xf32, #tpu.memory_space<vmem>>) dst(%dma_wait3A_302 : memref<256x2048xf32, #tpu.memory_space<any>>)
    } else {
    }
    return
  }
  func.func @transform_0(%arg0: i32, %arg1: i32) -> (i32, i32) {
    %c0_i32 = arith.constant 0 : i32
    %c0_i32_0 = arith.constant 0 : i32
    %c0_i32_1 = arith.constant 0 : i32
    return %c0_i32, %c0_i32_0 : i32, i32
  }
}

</mosaic_0001>

<sc_bundles>
// kernel: kernel.4.cloned.1.call-start
scs
__scs_entry_jumppad:
0x0: {  	(pc) =	sbr.rel $0x88, $3  }
0x1: {  	(tag) =	ssettag $0x0;
	lr =	simm.s32 $0x1  }
0x2: {  	[smem:$0x3FA0] =	sst lr;
	_ =	strace $0xD0000000  }
0x3: {  	_ = 	snop  }
0x4: {  	_ = 	snop  }
0x5: {  	_ = 	snop  }
0x6: {  	_ = 	snop  }
0x7: {  	_ = 	snop  }
__scs_overlays_trampoline_lowered:
0x8: {  	[smem:$0x3FAF] =	sst s0  }
0x9: {  	[smem:$0x3FB0] =	sst s1  }
0xa: {  	[smem:$0x3FB1] =	sst s2  }
0xb: {  	[smem:$0x3FB2] =	sst s3  }
0xc: {  	[smem:$0x3FB3] =	sst s4  }
0xd: {  	[smem:$0x3FB4] =	sst s5  }
0xe: {  	[smem:$0x3FB5] =	sst s6  }
0xf: {  	[smem:$0x3FB6] =	sst s7  }
0x10: {  	[smem:$0x3FB7] =	sst s8  }
0x11: {  	[smem:$0x3FB8] =	sst s9;
	s0 =	simm.s32 @!p0 $0x0  }
0x12: {  	s1 =	sld [smem:$0x3F9E];
	s0 =	simm.s32 @p0 $0x1  }
0x13: {  	[smem:$0x3FB9] =	sst s0;
	s0 =	simm.s32 @!p1 $0x0  }
0x14: {  	s2 =	sld [smem:$0x3F9D];
	s0 =	simm.s32 @p1 $0x1  }
0x15: {  	[smem:$0x3FBA] =	sst s0;
	s0 =	simm.s32 @!p2 $0x0  }
0x16: {  	s3 =	sld [smem:$0x3FDB];
	s0 =	simm.s32 @p2 $0x1  }
0x17: {  	s4 =	simm.s32 $0x1BF5;
	[smem:$0x3FBC] =	sst s0  }
0x18: {  	s0 =	sld [smem:$0x3F9F];
	_ =	swait.ge [sflag:s4], $0x0  }
0x19: {  	s7 =	sld [smem:$0x3FA0]  }
0x1a: {  	s8 =	sadd.s32 $0xFFFFE003, lr  }
0x1b: {  	s9 =	sadd.s32 $0xFFFFFEF7, lr;
	s5 =	simm.s32 $0xFFFFFFFF;
	p2 =	slt.u32 s8, $0xFFFFF086  }
0x1c: {  	p1 =	slt.u32 s9, $0xF7A;
	s5 =	simm.s32 @!p2 $0x0  }
0x1d: {  	s5 =	simm.s32 @p1 $0x1;
	p0 =	seq.s32 s7, s2  }
0x1e: {  	s7 =	smul.u32 @!p0 $0xF7A, s2;
	p2 =	seq.s32 @!p0 s5, $0x0  }
0x1f: {  	s9 =	smul.u32 $0xF7A, s1;
	s8 =	simm.s32 @!p0 $0x1BF5;
	p2 =	por !p2, p0  }
0x20: {  	[sflag:s8] =	ssyncset.s32 @!p0 $0xFFFFF086;
	s6 =	sadd.s32 @!p0 s3, s7;
	s7 =	simm.s32 @!p0 $0x108  }
0x21: {  	s3 =	sadd.s32 s3, s9;
	s6 =	sadd.s32 @!p0 $0x88, s6;
	s7 =	simm.s32 @p2 $0x1082  }
0x22: {  	[simem:s7], [sflag:s8] =	dma.local @!p0 [hbm:s6], $0xF7A  }
0x23: {  	s9 =	sor.u32 $0xD0000000, s2;
	s6 =	simm.s32 $0x108;
	_ =	swait.ge @!p0 [sflag:s8], $0x0  }
0x24: {  	s3 =	sadd.s32 $0x88, s3;
	s6 =	simm.s32 @!p1 $0x1082;
	[sflag:s4] =	ssyncset.s32 $0xFFFFF086  }
0x25: {  	[simem:s6], [sflag:s4] =	dma.local [hbm:s3], $0xF7A  }
0x26: {  	[smem:$0x3FA0] =	sst s1;
	(tag) =	ssettag s2;
	_ =	strace s9  }
0x27: {  	s1 =	sld [smem:$0x3FB0]  }
0x28: {  	s2 =	sld [smem:$0x3FB1]  }
0x29: {  	s4 =	sld [smem:$0x3FB3]  }
0x2a: {  	p0 =	seq.s32 s5, $0x0;
	s5 =	sld [smem:$0x3FB4]  }
0x2b: {  	s6 =	sld [smem:$0x3FB5]  }
0x2c: {  	s7 =	sld [smem:$0x3FB6]  }
0x2d: {  	s3 =	simm.s32 $0x108;
	s8 =	sld [smem:$0x3FB7]  }
0x2e: {  	s3 =	simm.s32 @!p0 $0x1082;
	s9 =	sld [smem:$0x3FB8]  }
0x2f: {  	lr =	sadd.s32 s0, s3;
	s0 =	sld [smem:$0x3FAF]  }
0x30: {  	s3 =	sld [smem:$0x3FB2]  }
0x31: {  	[smem:$0x3FBB] =	sst s10  }
0x32: {  	s10 =	sld [smem:$0x3FB9];
	_ =	sdelay $0x3  }
0x33: {  	p0 =	seq.s32 s10, $0x1;
	s10 =	sld [smem:$0x3FBB];
	_ =	sdelay $0x3  }
0x34: {  	[smem:$0x3FBB] =	sst s10  }
0x35: {  	s10 =	sld [smem:$0x3FBA];
	_ =	sdelay $0x3  }
0x36: {  	p1 =	seq.s32 s10, $0x1;
	s10 =	sld [smem:$0x3FBB];
	_ =	sdelay $0x3  }
0x37: {  	[smem:$0x3FBB] =	sst s10  }
0x38: {  	s10 =	sld [smem:$0x3FBC]  }
0x39: {  	_ = 	snop;
	(pc) =	sbr.ind lr, $3  }
0x3a: {  	_ = 	snop  }
0x3b: {  	_ = 	snop  }
0x3c: {  	p2 =	seq.s32 s10, $0x1;
	s10 =	sld [smem:$0x3FBB]  }
0x3d: {  	_ =	shalt  }
0x3e: {  	_ =	shalt  }
0x3f: {  	_ =	shalt  }
0x40: {  	_ =	shalt  }
0x41: {  	_ =	shalt  }
0x42: {  	_ =	shalt  }
0x43: {  	_ =	shalt  }
0x44: {  	_ =	shalt  }
0x45: {  	_ =	shalt  }
0x46: {  	_ =	shalt  }
0x47: {  	_ =	shalt  }
0x48: {  	_ =	shalt  }
0x49: {  	_ =	shalt  }
0x4a: {  	_ =	shalt  }
0x4b: {  	_ =	shalt  }
0x4c: {  	_ =	shalt  }
0x4d: {  	_ =	shalt  }
0x4e: {  	_ =	shalt  }
0x4f: {  	_ =	shalt  }
0x50: {  	_ =	shalt  }
0x51: {  	_ =	shalt  }
0x52: {  	_ =	shalt  }
0x53: {  	_ =	shalt  }
0x54: {  	_ =	shalt  }
0x55: {  	_ =	shalt  }
0x56: {  	_ =	shalt  }
0x57: {  	_ =	shalt  }
0x58: {  	_ =	shalt  }
0x59: {  	_ =	shalt  }
0x5a: {  	_ =	shalt  }
0x5b: {  	_ =	shalt  }
0x5c: {  	_ =	shalt  }
0x5d: {  	_ =	shalt  }
0x5e: {  	_ =	shalt  }
0x5f: {  	_ =	shalt  }
0x60: {  	_ =	shalt  }
0x61: {  	_ =	shalt  }
0x62: {  	_ =	shalt  }
0x63: {  	_ =	shalt  }
0x64: {  	_ =	shalt  }
0x65: {  	_ =	shalt  }
0x66: {  	_ =	shalt  }
0x67: {  	_ =	shalt  }
0x68: {  	_ =	shalt  }
0x69: {  	_ =	shalt  }
0x6a: {  	_ =	shalt  }
0x6b: {  	_ =	shalt  }
0x6c: {  	_ =	shalt  }
0x6d: {  	_ =	shalt  }
0x6e: {  	_ =	shalt  }
0x6f: {  	_ =	shalt  }
0x70: {  	_ =	shalt  }
0x71: {  	_ =	shalt  }
0x72: {  	_ =	shalt  }
0x73: {  	_ =	shalt  }
0x74: {  	_ =	shalt  }
0x75: {  	_ =	shalt  }
0x76: {  	_ =	shalt  }
0x77: {  	_ =	shalt  }
0x78: {  	_ =	shalt  }
0x79: {  	_ =	shalt  }
0x7a: {  	_ =	shalt  }
0x7b: {  	_ =	shalt  }
0x7c: {  	_ =	shalt  }
0x7d: {  	_ =	shalt  }
0x7e: {  	_ =	shalt  }
0x7f: {  	_ =	shalt  }
0x80: {  	_ =	shalt  }
0x81: {  	_ =	shalt  }
0x82: {  	_ =	shalt  }
0x83: {  	_ =	shalt  }
0x84: {  	_ =	shalt  }
0x85: {  	_ =	shalt  }
0x86: {  	_ =	shalt  }
0x87: {  	_ =	shalt  }
.Lfunc_end0:
.L_simem_size_0:
called_computation_lowered:
.L_overlay_start_0:
0x88: {  	s2 =	sld [smem:$0x3FD9]  }
0x89: {  	s3 =	sld [smem:$0x3FFE];
	_ =	sdelay $0x1  }
0x8a: {  	s1 =	srdreg.scid  }
0x8b: {  	s0 =	sand.u32 $0x1, s1  }
0x8c: {  	s17 =	sshll.u32 s0, $0xA;
	s2 =	sadd.s32 s3, s2  }
0x8d: {  	s2 =	sadd.s32 s2, s17  }
0x8e: {  	[smem:$0x3FC7] =	sst s2  }
0x8f: {  	_ = 	snop  }
0x90: {  	s2 =	sld [smem:$0x3FD0];
	(tm) =	ssettm $0x1  }
0x91: {  	s18 =	sld [smem:$0x3FFB];
	_ =	sdelay $0x3  }
0x92: {  	_ =	strace s18  }
0x93: {  	s3 =	sld [smem:$0x3FFC];
	_ =	sdelay $0x3  }
0x94: {  	_ =	strace s3  }
0x95: {  	s3 =	sld [smem:$0x3FFD];
	_ =	sdelay $0x3  }
0x96: {  	_ =	strace s3  }
0x97: {  	_ =	strace $0x8FFFFFFF  }
0x98: {  	s19 =	sld [smem:$0x3FDB];
	_ =	sdelay $0x1  }
0x99: {  	s4 =	simm.s32 $_scs_section_size  }
0x9a: {  	s5 =	simm.s32 $_size__tile_overlayer_lowered;
	s6 =	simm.s32 $_tile_overlayer_lowered  }
0x9b: {  	s22 =	simm.s32 $0x1BFF;
	s21 =	sshll.u32 s6, $0x1;
	s3 =	sadd.s32 s4, s19  }
0x9c: {  	s7 =	simm.s32 $0x0;
	s20 =	sshll.u32 s5, $0x1;
	s5 =	sadd.s32 s21, s3  }
0x9d: {  	[timem:s7], [sflag:s22] =	dma.local [hbm:s5], s20  }
0x9e: {  	_ =	swait.ge [sflag:s22], s20  }
0x9f: {  	s4 =	ssub.s32 $0x0, s20;
	[sflag:s22] =	ssyncset.done $0x0  }
0xa0: {  	[sflag:s22] =	ssyncadd.s32 s4;
	_ =	sdelay $0x1  }
0xa1: {  	s23 =	simm.s32 $0x1B8B  }
0xa2: {  	_ =	swait.ge [sflag:s23], $0x1  }
0xa3: {  	[sflag:s23] =	ssyncset.done $0x0  }
0xa4: {  	s25 =	simm.s32 $0x1B8E;
	s24 =	sld [smem:$0x3FFE];
	[sflag:s23] =	ssyncadd.s32 $0xFFFFFFFF  }
0xa5: {  	s26 =	simm.s32 $execute0_lowered;
	[smem:$0x3FD2] =	sst s25  }
0xa6: {  	s5 =	sshll.u32 s26, $0x1;
	_ =	strace $0x80000046;
	[dreg:$0x1] =	wrdreg $0xFFFFFFFF  }
0xa7: {  	s28 =	simm.s32 $_size_execute0_lowered;
	s3 =	sadd.s32 s3, s5;
	[dreg:$0x0] =	wrdreg $0x0  }
0xa8: {  	s5 =	sshll.u32 s28, $0x1;
	[dreg:$0x2] =	wrdreg s3  }
0xa9: {  	[dreg:$0x3] =	wrdreg s5  }
0xaa: {  	[dreg:$0x4] =	wrdreg $0xC0  }
0xab: {  	_ =	task [dreg:s7], $0x5FFFF  }
0xac: {  	[dreg:$0x1] =	wrdreg $0xFFFFFFFF  }
0xad: {  	[dreg:$0x0] =	wrdreg $0x60  }
0xae: {  	[dreg:$0x2] =	wrdreg s24  }
0xaf: {  	[dreg:$0x3] =	wrdreg s2  }
0xb0: {  	[dreg:$0x4] =	wrdreg $0x9  }
0xb1: {  	_ =	task.clear_ibuf [dreg:s7], $0x5FFFF;
	_ =	strace $0x90000046  }
0xb2: {  	s29 =	simm.s32 $0x9;
	_ =	strace $0x80000048  }
0xb3: {  	_ =	swait.ge [sflag:s29], $0x1  }
0xb4: {  	[sflag:s29] =	ssyncadd.s32 $0xFFFFFFFF  }
0xb5: {  	_ =	strace $0x90000048  }
0xb6: {  	_ =	sfence  }
0xb7: {  	s30 =	sld [smem:$0x0];
	_ =	sdelay $0x2  }
0xb8: {  	s31 =	sshll.u32 s1, $0xD;
	s1 =	sshrl.u32 s1, $0x2  }
0xb9: {  	s3 =	sand.u32 $0x4000, s31;
	s1 =	sadd.s32 s1, s30  }
0xba: {  	s0 =	sor.u32 s3, s0;
	s1 =	sshll.u32 s1, $0x11  }
0xbb: {  	s0 =	sor.u32 s1, s0  }
0xbc: {  	s0 =	sadd.s32 $0x8F2B, s0  }
0xbd: {  	[sflag:s0] =	ssyncadd.remote.s32 $0x1  }
0xbe: {  	_ =	sfence.sel $0xFFFF  }
0xbf: {  	[dreg:$0x0] =	wrdreg $0xFFFFFFFF;
	(pc) =	sbr.abs _section_cstart, $3  }
0xc0: {  	[dreg:$0x1] =	wrdreg $0xFFFFFFFF  }
0xc1: {  	_ =	task.clear_ibuf [dreg:s7], $0x2FFFF;
	_ =	strace $0x9FFFFFFF  }
0xc2: {  	(tm) =	ssettm $0x7FFFFFFF  }
0xc3: {  	_ =	shalt  }
tec
execute0_lowered:
.L_overlay_start_1:
0x0: {  	(tag) =	ssettag $0x1  }
0x1: {  	s1 =	rddreg [dreg:$0x0]  }
0x2: {  	s4 =	rddreg [dreg:$0x1]  }
0x3: {  	s0 =	rddreg [dreg:$0x2];
	s2 =	simm.s32 $0x0  }
0x4: {  	s3 =	srdreg.scid;
	s10 =	simm.s32 $0x0;
	[smem:$0x7FF] =	sst s2  }
0x5: {  	s5 =	sand.u32 $0x1, s3;
	s3 =	stileid.u32;
	_ =	strace $0x80000047  }
0x6: {  	s6 =	ssub.s32 $0x2, s5;
	s8 =	sshll.u32 s3, $0xC;
	s9 =	sshll.u32 s5, $0xB  }
0x7: {  	s30 =	sshll.u32 s3, $0x8;
	s5 =	sshll.u32 s5, $0x7;
	s7 =	sshrl.u32 s6, $0x1  }
0x8: {  	s8 =	sor.u32 s9, s8;
	s31 =	sor.u32 s5, s30;
	s9 =	simm.s32 $0x2  }
0x9: {  	s6 =	ssub.s32 s6, s7;
	s4 =	sadd.s32 s4, s8;
	s7 =	simm.s32 $0x80  }
0xa: {  	v0 =	vlaneseq.u32;
	v1 =	vimm.s32 $0x8;
	v2 =	vimm.s32 $0x0;
	s8 =	simm.s32 $0x1;
	s5 =	smax.u32 s6, $0x1;
	s6 =	sadd.s32 $0xFFFFF801, s31  }
.LBB2_1:
0xb: {  	v6 =	vadd.s32 s6, v0  }
0xc: {  	v3 =	vsub.s32 $0x0, v6  }
0xd: {  	v3 =	vmin.u32 v6, v3  }
0xe: {  	vm0 =	vgt.s32 v3, $0xB;
	vm1 =	vgt.s32 v3, $0xF  }
0xf: {  	v4 =	vsel vm0, $0x9, v1;
	v5 =	vsel vm1, $0x1, v2;
	vm0 =	vgt.s32 v3, $0x16  }
0x10: {  	v4 =	vadd.s32 v5, v4;
	v5 =	vsel vm0, $0x1, v2;
	vm0 =	vgt.s32 v3, $0x1F  }
0x11: {  	v4 =	vadd.s32 v5, v4;
	v5 =	vsel vm0, $0x1, v2;
	vm0 =	vgt.s32 v3, $0x2D  }
0x12: {  	v4 =	vadd.s32 v5, v4;
	v5 =	vsel vm0, $0x1, v2;
	vm0 =	vgt.s32 v3, $0x3F  }
0x13: {  	v5 =	vadd.s32 v5, v4;
	v7 =	vsel vm0, $0x1, v2;
	vm0 =	vgt.s32 v3, $0x5A  }
0x14: {  	s13 =	sadd.s32 $0x10, s6;
	vm1 =	vlt.s32 v3, $0x8;
	v5 =	vadd.s32 v7, v5;
	v7 =	vsel vm0, $0x1, v2  }
0x15: {  	s11 =	simm.s32 $0x40;
	s14 =	simm.s32 $0x80;
	s12 =	simm.s32 $0x0;
	v4 =	vadd.s32 s13, v0;
	vm0 =	vlt.s32 v2, v6;
	v5 =	vadd.s32 v7, v5  }
.LBB2_2:
0x16: {  	p0 =	sne.s32 s14, $0x1C0;
	v6 =	vsub.s32 $0x0, v4;
	v5 =	vsel vm1, v3, v5;
	v7 =	vsel vm0, $0x10, v2  }
0x17: {  	s15 =	sshra.s32 s12, $0x2;
	s12 =	smov.u32 s11;
	s11 =	smov.u32 s14;
	v3 =	vmin.u32 v4, v6;
	v5 =	vadd.s32 v7, v5  }
0x18: {  	vm0 =	vgt.s32 v3, $0xB;
	vm1 =	vgt.s32 v3, $0xF;
	[tilespmem:s15+$0x0] =	vst v5  }
0x19: {  	v5 =	vsel vm0, $0x9, v1;
	v6 =	vsel vm1, $0x1, v2;
	vm0 =	vgt.s32 v3, $0x16  }
0x1a: {  	v5 =	vadd.s32 v6, v5;
	v6 =	vsel vm0, $0x1, v2;
	vm0 =	vgt.s32 v3, $0x1F  }
.Ltmp0:
0x1b: {  	v5 =	vadd.s32 v6, v5;
	v6 =	vsel vm0, $0x1, v2;
	vm0 =	vgt.s32 v3, $0x2D;
	(pc) =	sbr.rel @p0 .LBB2_2-.Ltmp0, $4  }
0x1c: {  	v5 =	vadd.s32 v6, v5;
	v6 =	vsel vm0, $0x1, v2;
	vm0 =	vgt.s32 v3, $0x3F  }
0x1d: {  	s13 =	sadd.s32 $0x10, s13;
	v5 =	vadd.s32 v6, v5;
	v6 =	vsel vm0, $0x1, v2;
	vm0 =	vgt.s32 v3, $0x5A  }
0x1e: {  	v7 =	vadd.s32 s13, v0;
	v5 =	vadd.s32 v6, v5;
	v6 =	vsel vm0, $0x1, v2  }
0x1f: {  	s14 =	sadd.s32 $0x40, s14;
	vm1 =	vlt.s32 v3, $0x8;
	vm0 =	vlt.s32 v2, v4;
	v4 =	vmovc v7;
	v5 =	vadd.s32 v6, v5  }
0x20: {  	v6 =	vsub.s32 $0x0, v4  }
0x21: {  	v6 =	vmin.u32 v4, v6  }
0x22: {  	v3 =	vsel vm1, v3, v5;
	vm2 =	vgt.s32 v6, $0xB;
	vm3 =	vgt.s32 v6, $0xF  }
0x23: {  	vm9 =	vgt.s32 v6, $0x16;
	v7 =	vsel vm2, $0x9, v1;
	v8 =	vsel vm3, $0x1, v2  }
0x24: {  	vm10 =	vgt.s32 v6, $0x1F;
	v56 =	vsel vm9, $0x1, v2;
	v7 =	vadd.s32 v8, v7  }
0x25: {  	vm11 =	vgt.s32 v6, $0x2D;
	v57 =	vsel vm10, $0x1, v2;
	v7 =	vadd.s32 v56, v7  }
0x26: {  	vm12 =	vgt.s32 v6, $0x3F;
	v58 =	vsel vm11, $0x1, v2;
	v7 =	vadd.s32 v57, v7  }
0x27: {  	vm13 =	vgt.s32 v6, $0x5A;
	v59 =	vsel vm12, $0x1, v2;
	v7 =	vadd.s32 v58, v7  }
0x28: {  	vm14 =	vlt.s32 v2, v4;
	v9 =	vsel vm13, $0x1, v2;
	v7 =	vadd.s32 v59, v7  }
0x29: {  	v61 =	vsel vm0, $0x10, v2;
	vm15 =	vlt.s32 v6, $0x8;
	v60 =	vadd.s32 v9, v7  }
0x2a: {  	s12 =	sshra.s32 s12, $0x2;
	v3 =	vadd.s32 v61, v3;
	v63 =	vsel vm14, $0x10, v2;
	v62 =	vsel vm15, v6, v60  }
0x2b: {  	s11 =	sshra.s32 s11, $0x2;
	[tilespmem:s12+$0x0] =	vst v3;
	v3 =	vadd.s32 v63, v62  }
0x2c: {  	[tilespmem:s11+$0x0] =	vst v3  }
0x2d: {  	[tilespmem:s7], [sflag:$0x1] =	stream.indirect.gather [hbm4b:s1+s7], $0x80, s2, s7, $0xb8;
	[tilespmem:$0x4080] =	vst v63  }
0x2e: {  	s10 =	sadd.s32 $0x1, s10;
	_ =	swait.ge [sflag:s8], $0x4000  }
0x2f: {  	p0 =	sne.s32 s10, s5;
	[sflag:s8] =	ssyncset.done $0x0  }
.Ltmp1:
0x30: {  	[sflag:s8] =	ssyncadd.s32 $0xFFFFC000;
	(pc) =	sbr.rel @p0 .LBB2_1-.Ltmp1, $4  }
0x31: {  	[hbm4b:s4+s2] =	stream.linear.scatter [tilespmem:s7], [sflag:$0x2], $0x4000, $0x38;
	[tilespmem:$0x4080] =	vst v63  }
0x32: {  	_ =	swait.ge [sflag:s9], $0x4000  }
0x33: {  	[sflag:s9] =	ssyncset.done $0x0  }
0x34: {  	[sflag:s9] =	ssyncadd.s32 $0xFFFFC000  }
0x35: {  	_ =	sfence.sel $0x180000  }
0x36: {  	[bflag:$0x0] =	sbarrier.arrive $0xFFFF  }
0x37: {  	p0 =	sne.s32 s3, $0x0;
	_ =	strace $0x90000047  }
0x38: {  	s0 =	sadd.s32 @!p0 $0x100000, s0;
	[bflag:$0x2] =	sbarrier.arrive $0xFFFF  }
0x39: {  	[sflag:s0] =	ssyncadd.tile.s32 @!p0 $0x1;
	_ =	shalt  }
.Lfunc_end2:
_tile_overlayer_lowered:
.L_overlay_start_2:
0x3a: {  	(tag) =	ssettag $0x2  }
0x3b: {  	s0 =	rddreg [dreg:$0x0];
	s2 =	stileid.u32  }
0x3c: {  	s1 =	rddreg [dreg:$0x1];
	p0 =	sne.s32 s2, $0x0  }
0x3d: {  	s3 =	rddreg [dreg:$0x2];
	[bflag:$0x3] =	sbarrier.arrive $0xFFFF;
	s2 =	simm.s32 @!p0 $0x1C02  }
0x3e: {  	[timem:s3], [sflag:s2] =	dma.local @!p0 [hbm:s0], s1  }
0x3f: {  	s0 =	simm.s32 @!p0 $0x2  }
0x40: {  	_ =	swait.ge @!p0 [sflag:s0], s1  }
0x41: {  	s1 =	ssub.s32 @!p0 $0x0, s1;
	[sflag:s0] =	ssyncset.done @!p0 $0x0  }
0x42: {  	[sflag:s0] =	ssyncadd.s32 @!p0 s1  }
0x43: {  	[bflag:$0x3] =	sbarrier.arrive $0xFFFF  }
0x44: {  	_ =	shalt  }

</sc_bundles>
